<compile_context>
chip_gen: v7x
topology: tpu7x:2x2x1
jax: 0.10.2.dev20260603
libtpu: 0.0.44.dev20260713+nightly
codegen_flags: <defaults>
</compile_context>

<pallas_src>
import functools

import jax
import jax.numpy as jnp
from jax import lax
from jax.experimental import pallas as pl
from jax.experimental.pallas import tpu as pltpu
from jax.experimental.pallas import tpu_sc as plsc

B = 4096
CONT_DIM = 128
DIM_USER = 32
DIM_ITEM = 32
DIM_CAT = 16
VOCAB_USER = 100000
VOCAB_ITEM = 100000
VOCAB_CAT = 1000

_NC, _NS = 2, 16
_L = 16


@functools.lru_cache(maxsize=1)
def _make_gather3():
    mesh = plsc.VectorSubcoreMesh(
        core_axis_name="c", subcore_axis_name="s",
        num_cores=_NC, num_subcores=_NS)

    @functools.partial(
        pl.kernel,
        mesh=mesh,
        out_type=(
            jax.ShapeDtypeStruct((DIM_USER, B), jnp.float32),
            jax.ShapeDtypeStruct((DIM_ITEM, B), jnp.float32),
            jax.ShapeDtypeStruct((DIM_CAT, B), jnp.float32),
        ),
        scratch_types=[
            pltpu.VMEM((B,), jnp.int32),
            pltpu.VMEM((B,), jnp.int32),
            pltpu.VMEM((B,), jnp.int32),
            pltpu.VMEM((B,), jnp.float32),
            pltpu.VMEM((VOCAB_USER,), jnp.float32),
            pltpu.VMEM((VOCAB_CAT,), jnp.float32),
            pltpu.SemaphoreType.DMA,
            pltpu.SemaphoreType.DMA,
            pltpu.SemaphoreType.DMA,
            pltpu.SemaphoreType.DMA,
            pltpu.SemaphoreType.DMA,
        ],
        compiler_params=pltpu.CompilerParams(needs_layout_passes=False),
    )
    def _gather3(uid_hbm, iid_hbm, cid_hbm, tab_u, tab_i, tab_c,
                 out_u, out_i, out_c, idx_u, idx_i, idx_c, res_v,
                 row_v, rowc_v, sem_iu, sem_ii, sem_ic, sem_r, sem_c):
        wid = lax.axis_index("s") * _NC + lax.axis_index("c")
        tf = wid >> 3
        fs = wid & 7

        def gather_loop(ids, row_buf, out_row_hbm):
            @pl.loop(0, B, step=_L, unroll=8)
            def _(c):
                iv = ids[pl.ds(c, _L)]
                res_v[pl.ds(c, _L)] = plsc.load_gather(row_buf, [iv])

            pltpu.sync_copy(res_v, out_row_hbm)

        c_iu = pltpu.async_copy(uid_hbm, idx_u, sem_iu)
        c_ii = pltpu.async_copy(iid_hbm, idx_i, sem_ii)
        c_ic = pltpu.async_copy(cid_hbm, idx_c, sem_ic)
        c_ru = pltpu.async_copy(tab_u.at[tf, fs], row_v, sem_r)
        is_cat = wid < DIM_CAT

        @pl.when(is_cat)
        def _():
            pltpu.async_copy(tab_c.at[wid >> 3, wid & 7], rowc_v, sem_c).wait()

        c_ru.wait()
        c_iu.wait()
        gather_loop(idx_u, row_v, out_u.at[wid])
        c_ri = pltpu.async_copy(tab_i.at[tf, fs], row_v, sem_r)

        @pl.when(is_cat)
        def _():
            c_ic.wait()
            gather_loop(idx_c, rowc_v, out_c.at[wid])

        @pl.when(jnp.logical_not(is_cat))
        def _():
            c_ic.wait()

        c_ri.wait()
        c_ii.wait()
        gather_loop(idx_i, row_v, out_i.at[wid])

    return _gather3


def _bn_relu(x, g, be, eps=1e-5):
    n = x.shape[0]
    ones = jnp.ones((1, n), dtype=jnp.float32)
    m = jnp.dot(ones, x, preferred_element_type=jnp.float32) / n
    e2 = jnp.dot(ones, x * x, preferred_element_type=jnp.float32) / n
    v = e2 - m * m
    a = g * jax.lax.rsqrt(v + eps)
    b = be - m * a
    return jnp.maximum(x * a + b, 0.0)


def _dot(a, b):
    bf16 = jnp.bfloat16
    return jnp.dot(a.astype(bf16), b.astype(bf16),
                   preferred_element_type=jnp.float32)


def _dot_t(a, b):
    bf16 = jnp.bfloat16
    return lax.dot_general(a.astype(bf16), b.astype(bf16),
                           (((0,), (0,)), ((), ())),
                           preferred_element_type=jnp.float32)


def _mlp_body(cont_ref, eu_ref, ei_ref, ec_ref,
              w1a_ref, w1b_ref, w1c_ref, w1d_ref, b1_ref,
              w2_ref, b2_ref, w3_ref, b3_ref, w4_ref, b4_ref,
              g1_ref, be1_ref, g2_ref, be2_ref, g3_ref, be3_ref,
              out_ref):
    h = (_dot(cont_ref[...], w1a_ref[...])
         + _dot_t(eu_ref[...], w1b_ref[...])
         + _dot_t(ei_ref[...], w1c_ref[...])
         + _dot_t(ec_ref[...], w1d_ref[...])
         + b1_ref[...])
    h = _bn_relu(h, g1_ref[...], be1_ref[...])
    h = _dot(h, w2_ref[...]) + b2_ref[...]
    h = _bn_relu(h, g2_ref[...], be2_ref[...])
    h = _dot(h, w3_ref[...]) + b3_ref[...]
    h = _bn_relu(h, g3_ref[...], be3_ref[...])
    out_ref[...] = _dot(h, w4_ref[...]) + b4_ref[...]


def kernel(continuous_features, user_id, item_id, category,
           emb_user, emb_item, emb_cat,
           W1, b1, W2, b2, W3, b3, W4, b4,
           g1, be1, g2, be2, g3, be3):
    euT, eiT, ecT = _make_gather3()(
        user_id.astype(jnp.int32), item_id.astype(jnp.int32),
        category.astype(jnp.int32),
        emb_user.T.reshape(DIM_USER // 8, 8, VOCAB_USER),
        emb_item.T.reshape(DIM_ITEM // 8, 8, VOCAB_ITEM),
        emb_cat.T.reshape(DIM_CAT // 8, 8, VOCAB_CAT))

    w1a = W1[:CONT_DIM]
    w1b = W1[CONT_DIM:CONT_DIM + DIM_USER]
    w1c = W1[CONT_DIM + DIM_USER:CONT_DIM + DIM_USER + DIM_ITEM]
    w1d = W1[CONT_DIM + DIM_USER + DIM_ITEM:]

    mlp = pl.pallas_call(
        _mlp_body,
        out_shape=jax.ShapeDtypeStruct((B, W4.shape[1]), jnp.float32),
    )
    return mlp(continuous_features, euT, eiT, ecT,
               w1a, w1b, w1c, w1d, b1.reshape(1, -1),
               W2, b2.reshape(1, -1), W3, b3.reshape(1, -1),
               W4, b4.reshape(1, -1),
               g1.reshape(1, -1), be1.reshape(1, -1),
               g2.reshape(1, -1), be2.reshape(1, -1),
               g3.reshape(1, -1), be3.reshape(1, -1))

# --- scband reference (transcript-rebuilt; emitter-appended) ---
"""Pipeline reference for scband-structured-encoder-33088428048665 (READ-ONLY COPY).

The authoritative reference and input builder live on the scoring server;
editing this copy changes nothing except your own understanding.
"""

import jax, jax.numpy as jnp
import numpy as np

B = 4096
CONT_DIM = 128
VOCAB_USER, DIM_USER = 100000, 32
VOCAB_ITEM, DIM_ITEM = 100000, 32
VOCAB_CAT, DIM_CAT = 1000, 16
HIDDEN = [512, 256, 128]
OUT_DIM = 256
MLP_IN = CONT_DIM + DIM_USER + DIM_ITEM + DIM_CAT  # 208


def _kaiming(key, fan_in, fan_out):
    # kaiming_normal_ with mode='fan_out', relu: std = sqrt(2 / fan_out)
    std = np.sqrt(2.0 / fan_out)
    return jax.random.normal(key, (fan_in, fan_out), dtype=jnp.float32) * std


def setup_inputs(seed: int = 0) -> dict:
    key = jax.random.key(seed)
    ks = jax.random.split(key, 16)
    inp = {}
    inp['continuous_features'] = jax.random.normal(ks[0], (B, CONT_DIM), dtype=jnp.float32)
    inp['user_id'] = jax.random.randint(ks[1], (B,), 0, VOCAB_USER, dtype=jnp.int64) if jax.config.read('jax_enable_x64') else jax.random.randint(ks[1], (B,), 0, VOCAB_USER)
    inp['item_id'] = jax.random.randint(ks[2], (B,), 0, VOCAB_ITEM)
    inp['category'] = jax.random.randint(ks[3], (B,), 0, VOCAB_CAT)
    inp['emb_user'] = jax.random.normal(ks[4], (VOCAB_USER, DIM_USER), dtype=jnp.float32) * 0.1
    inp['emb_item'] = jax.random.normal(ks[5], (VOCAB_ITEM, DIM_ITEM), dtype=jnp.float32) * 0.1
    inp['emb_cat'] = jax.random.normal(ks[6], (VOCAB_CAT, DIM_CAT), dtype=jnp.float32) * 0.1
    dims = [MLP_IN] + HIDDEN + [OUT_DIM]
    for i in range(4):
        inp[f'W{i+1}'] = _kaiming(ks[7 + i], dims[i], dims[i + 1])
        inp[f'b{i+1}'] = jnp.zeros((dims[i + 1],), dtype=jnp.float32)
    for i in range(3):
        inp[f'g{i+1}'] = jnp.ones((HIDDEN[i],), dtype=jnp.float32)
        inp[f'be{i+1}'] = jnp.zeros((HIDDEN[i],), dtype=jnp.float32)
    return inp


def _bn(x, gamma, beta, eps=1e-5):
    # BatchNorm1d in training mode: batch statistics, biased variance
    m = jnp.mean(x, axis=0)
    v = jnp.mean((x - m) ** 2, axis=0)
    return (x - m) / jnp.sqrt(v + eps) * gamma + beta


def reference(continuous_features, user_id, item_id, category,
              emb_user, emb_item, emb_cat,
              W1, b1, W2, b2, W3, b3, W4, b4,
              g1, be1, g2, be2, g3, be3):
    ui = jnp.clip(user_id, 0, emb_user.shape[0] - 1)
    ii = jnp.clip(item_id, 0, emb_item.shape[0] - 1)
    ci = jnp.clip(category, 0, emb_cat.shape[0] - 1)
    e_u = jnp.take(emb_user, ui, axis=0)
    e_i = jnp.take(emb_item, ii, axis=0)
    e_c = jnp.take(emb_cat, ci, axis=0)
    x = jnp.concatenate([continuous_features, e_u, e_i, e_c], axis=1)
    h = jax.nn.relu(_bn(x @ W1 + b1, g1, be1))
    h = jax.nn.relu(_bn(h @ W2 + b2, g2, be2))
    h = jax.nn.relu(_bn(h @ W3 + b3, g3, be3))
    out = h @ W4 + b4
    return out

if __name__ == "__main__":
    import jax
    _d = setup_inputs()
    print(jax.jit(kernel)(*tuple(_d.values())))

</pallas_src>

<mosaic_0001>
#map = affine_map<(d0, d1) -> (0)>
#map1 = affine_map<(d0, d1) -> (0, 0, 0)>
#map2 = affine_map<(d0, d1) -> (0, 0)>
module attributes {stable_mosaic.version = 14 : i64} {
  func.func @_gather3(%arg0: i32, %arg1: i32, %arg2: memref<4096xi32, #tpu.memory_space<hbm>>, %arg3: memref<4096xi32, #tpu.memory_space<hbm>>, %arg4: memref<4096xi32, #tpu.memory_space<hbm>>, %arg5: memref<4x8x100000xf32, #tpu.memory_space<hbm>>, %arg6: memref<4x8x100000xf32, #tpu.memory_space<hbm>>, %arg7: memref<2x8x1000xf32, #tpu.memory_space<hbm>>, %arg8: memref<32x4096xf32, #tpu.memory_space<hbm>>, %arg9: memref<32x4096xf32, #tpu.memory_space<hbm>>, %arg10: memref<16x4096xf32, #tpu.memory_space<hbm>>, %arg11: memref<4096xi32, #tpu.memory_space<vmem>>, %arg12: memref<4096xi32, #tpu.memory_space<vmem>>, %arg13: memref<4096xi32, #tpu.memory_space<vmem>>, %arg14: memref<4096xf32, #tpu.memory_space<vmem>>, %arg15: memref<100000xf32, #tpu.memory_space<vmem>>, %arg16: memref<1000xf32, #tpu.memory_space<vmem>>, %arg17: memref<!tpu.dma_semaphore, #tpu.memory_space<semaphore_mem>>, %arg18: memref<!tpu.dma_semaphore, #tpu.memory_space<semaphore_mem>>, %arg19: memref<!tpu.dma_semaphore, #tpu.memory_space<semaphore_mem>>, %arg20: memref<!tpu.dma_semaphore, #tpu.memory_space<semaphore_mem>>, %arg21: memref<!tpu.dma_semaphore, #tpu.memory_space<semaphore_mem>>) attributes {dimension_semantics = [#tpu.dimension_semantics<core_parallel>, #tpu.dimension_semantics<subcore_parallel>], iteration_bounds = array<i64: 2, 16>, scalar_prefetch = 0 : i64, scratch_operands = 11 : i64, tpu.core_type = #tpu.core_type<sc_vector_subcore>, window_params = [{transform_indices = #map}, {transform_indices = #map}, {transform_indices = #map}, {transform_indices = #map1}, {transform_indices = #map1}, {transform_indices = #map1}, {transform_indices = #map2}, {transform_indices = #map2}, {transform_indices = #map2}]} {
    %mul3A = arith.constant 2 : i32
    %mul3A_0 = arith.muli %arg1, %mul3A : i32
    %add3A = arith.addi %mul3A_0, %arg0 : i32
    %shift_right_arithmetic3A = arith.constant 3 : i32
    %shift_right_arithmetic3A_1 = arith.shrsi %add3A, %shift_right_arithmetic3A : i32
    %and3A = arith.constant 7 : i32
    %and3A_2 = arith.andi %add3A, %and3A : i32
    tpu.enqueue_dma source(%arg2 : memref<4096xi32, #tpu.memory_space<hbm>>) target(%arg11 : memref<4096xi32, #tpu.memory_space<vmem>>) target_semaphore(%arg17 : memref<!tpu.dma_semaphore, #tpu.memory_space<semaphore_mem>>)
    tpu.enqueue_dma source(%arg3 : memref<4096xi32, #tpu.memory_space<hbm>>) target(%arg12 : memref<4096xi32, #tpu.memory_space<vmem>>) target_semaphore(%arg18 : memref<!tpu.dma_semaphore, #tpu.memory_space<semaphore_mem>>)
    tpu.enqueue_dma source(%arg4 : memref<4096xi32, #tpu.memory_space<hbm>>) target(%arg13 : memref<4096xi32, #tpu.memory_space<vmem>>) target_semaphore(%arg19 : memref<!tpu.dma_semaphore, #tpu.memory_space<semaphore_mem>>)
    %dma_start3A = arith.constant 0 : i32
    %dma_start3A_3 = tpu.memref_slice %arg5[%shift_right_arithmetic3A_1, %and3A_2, %dma_start3A] : memref<4x8x100000xf32, #tpu.memory_space<hbm>> -> memref<1x1x100000xf32, #tpu.memory_space<hbm>>
    %dma_start3A_4 = tpu.memref_squeeze %dma_start3A_3 : memref<1x1x100000xf32, #tpu.memory_space<hbm>> -> memref<100000xf32, #tpu.memory_space<hbm>>
    %dma_start3A_5 = arith.constant 0 : i32
    %dma_start3A_6 = tpu.memref_slice %arg5[%shift_right_arithmetic3A_1, %and3A_2, %dma_start3A_5] : memref<4x8x100000xf32, #tpu.memory_space<hbm>> -> memref<1x1x100000xf32, #tpu.memory_space<hbm>>
    %dma_start3A_7 = tpu.memref_squeeze %dma_start3A_6 : memref<1x1x100000xf32, #tpu.memory_space<hbm>> -> memref<100000xf32, #tpu.memory_space<hbm>>
    tpu.enqueue_dma source(%dma_start3A_7 : memref<100000xf32, #tpu.memory_space<hbm>>) target(%arg15 : memref<100000xf32, #tpu.memory_space<vmem>>) target_semaphore(%arg20 : memref<!tpu.dma_semaphore, #tpu.memory_space<semaphore_mem>>)
    %lt3A = arith.constant 16 : i32
    %lt3A_8 = arith.cmpi slt, %add3A, %lt3A : i32
    %convert_element_type3A = arith.extui %lt3A_8 : i1 to i32
    %cond3A = arith.constant 0 : i32
    %cond3A_9 = arith.cmpi ne, %convert_element_type3A, %cond3A : i32
    scf.if %cond3A_9 {
      %shift_right_arithmetic3A_43 = arith.constant 3 : i32
      %shift_right_arithmetic3A_44 = arith.shrsi %add3A, %shift_right_arithmetic3A_43 : i32
      %and3A_45 = arith.constant 7 : i32
      %and3A_46 = arith.andi %add3A, %and3A_45 : i32
      %dma_start3A_47 = arith.constant 0 : i32
      %dma_start3A_48 = tpu.memref_slice %arg7[%shift_right_arithmetic3A_44, %and3A_46, %dma_start3A_47] : memref<2x8x1000xf32, #tpu.memory_space<hbm>> -> memref<1x1x1000xf32, #tpu.memory_space<hbm>>
      %dma_start3A_49 = tpu.memref_squeeze %dma_start3A_48 : memref<1x1x1000xf32, #tpu.memory_space<hbm>> -> memref<1000xf32, #tpu.memory_space<hbm>>
      %dma_start3A_50 = arith.constant 0 : i32
      %dma_start3A_51 = tpu.memref_slice %arg7[%shift_right_arithmetic3A_44, %and3A_46, %dma_start3A_50] : memref<2x8x1000xf32, #tpu.memory_space<hbm>> -> memref<1x1x1000xf32, #tpu.memory_space<hbm>>
      %dma_start3A_52 = tpu.memref_squeeze %dma_start3A_51 : memref<1x1x1000xf32, #tpu.memory_space<hbm>> -> memref<1000xf32, #tpu.memory_space<hbm>>
      tpu.enqueue_dma source(%dma_start3A_52 : memref<1000xf32, #tpu.memory_space<hbm>>) target(%arg16 : memref<1000xf32, #tpu.memory_space<vmem>>) target_semaphore(%arg21 : memref<!tpu.dma_semaphore, #tpu.memory_space<semaphore_mem>>)
      %dma_wait3A_53 = arith.constant 0 : i32
      %dma_wait3A_54 = tpu.memref_slice %arg7[%shift_right_arithmetic3A_44, %and3A_46, %dma_wait3A_53] : memref<2x8x1000xf32, #tpu.memory_space<hbm>> -> memref<1x1x1000xf32, #tpu.memory_space<hbm>>
      %dma_wait3A_55 = tpu.memref_squeeze %dma_wait3A_54 : memref<1x1x1000xf32, #tpu.memory_space<hbm>> -> memref<1000xf32, #tpu.memory_space<hbm>>
      %dma_wait3A_56 = arith.constant 0 : i32
      %dma_wait3A_57 = tpu.memref_slice %arg7[%shift_right_arithmetic3A_44, %and3A_46, %dma_wait3A_56] : memref<2x8x1000xf32, #tpu.memory_space<hbm>> -> memref<1x1x1000xf32, #tpu.memory_space<hbm>>
      %dma_wait3A_58 = tpu.memref_squeeze %dma_wait3A_57 : memref<1x1x1000xf32, #tpu.memory_space<hbm>> -> memref<1000xf32, #tpu.memory_space<hbm>>
      tpu.wait_dma2 semaphore(%arg21 : memref<!tpu.dma_semaphore, #tpu.memory_space<semaphore_mem>>) src(%dma_wait3A_58 : memref<1000xf32, #tpu.memory_space<hbm>>) dst(%arg16 : memref<1000xf32, #tpu.memory_space<vmem>>)
    } else {
    }
    %dma_wait3A = arith.constant 0 : i32
    %dma_wait3A_10 = tpu.memref_slice %arg5[%shift_right_arithmetic3A_1, %and3A_2, %dma_wait3A] : memref<4x8x100000xf32, #tpu.memory_space<hbm>> -> memref<1x1x100000xf32, #tpu.memory_space<hbm>>
    %dma_wait3A_11 = tpu.memref_squeeze %dma_wait3A_10 : memref<1x1x100000xf32, #tpu.memory_space<hbm>> -> memref<100000xf32, #tpu.memory_space<hbm>>
    %dma_wait3A_12 = arith.constant 0 : i32
    %dma_wait3A_13 = tpu.memref_slice %arg5[%shift_right_arithmetic3A_1, %and3A_2, %dma_wait3A_12] : memref<4x8x100000xf32, #tpu.memory_space<hbm>> -> memref<1x1x100000xf32, #tpu.memory_space<hbm>>
    %dma_wait3A_14 = tpu.memref_squeeze %dma_wait3A_13 : memref<1x1x100000xf32, #tpu.memory_space<hbm>> -> memref<100000xf32, #tpu.memory_space<hbm>>
    tpu.wait_dma2 semaphore(%arg20 : memref<!tpu.dma_semaphore, #tpu.memory_space<semaphore_mem>>) src(%dma_wait3A_14 : memref<100000xf32, #tpu.memory_space<hbm>>) dst(%arg15 : memref<100000xf32, #tpu.memory_space<vmem>>)
    tpu.wait_dma2 semaphore(%arg17 : memref<!tpu.dma_semaphore, #tpu.memory_space<semaphore_mem>>) src(%arg2 : memref<4096xi32, #tpu.memory_space<hbm>>) dst(%arg11 : memref<4096xi32, #tpu.memory_space<vmem>>)
    %scan3A = arith.constant 0 : i32
    %scan3A_15 = arith.constant 256 : i32
    %scan3A_16 = arith.addi %scan3A, %scan3A_15 : i32
    %scan3A_17 = arith.constant 8 : i32
    scf.for %scan3A_43 = %scan3A to %scan3A_16 step %scan3A_17  : i32 {
      %mul3A_44 = arith.constant 16 : i32
      %mul3A_45 = arith.muli %scan3A_43, %mul3A_44 : i32
      %add3A_46 = arith.constant 0 : i32
      %add3A_47 = arith.addi %add3A_46, %mul3A_45 : i32
      %get3A = arith.index_cast %add3A_47 : i32 to index
      %get3A_48 = tpu.vector_load %arg11[%get3A] {strides = array<i32>} : memref<4096xi32, #tpu.memory_space<vmem>>, vector<16xi32>,
      %gather3A = tpu.vector_load_idx %arg15[%get3A_48] : memref<100000xf32, #tpu.memory_space<vmem>>[vector<16xi32>], vector<16xf32>,
      %swap3A = arith.index_cast %add3A_47 : i32 to index
      %swap3A_49 = tpu.vector_load %arg14[%swap3A] {strides = array<i32>} : memref<4096xf32, #tpu.memory_space<vmem>>, vector<16xf32>,
      tpu.vector_store %arg14[%swap3A], %gather3A {strides = array<i32>} : memref<4096xf32, #tpu.memory_space<vmem>>, vector<16xf32>,
      %scan3A_50 = arith.constant 1 : i32
      %scan3A_51 = arith.addi %scan3A_43, %scan3A_50 : i32
      %mul3A_52 = arith.constant 16 : i32
      %mul3A_53 = arith.muli %scan3A_51, %mul3A_52 : i32
      %add3A_54 = arith.constant 0 : i32
      %add3A_55 = arith.addi %add3A_54, %mul3A_53 : i32
      %get3A_56 = arith.index_cast %add3A_55 : i32 to index
      %get3A_57 = tpu.vector_load %arg11[%get3A_56] {strides = array<i32>} : memref<4096xi32, #tpu.memory_space<vmem>>, vector<16xi32>,
      %gather3A_58 = tpu.vector_load_idx %arg15[%get3A_57] : memref<100000xf32, #tpu.memory_space<vmem>>[vector<16xi32>], vector<16xf32>,
      %swap3A_59 = arith.index_cast %add3A_55 : i32 to index
      %swap3A_60 = tpu.vector_load %arg14[%swap3A_59] {strides = array<i32>} : memref<4096xf32, #tpu.memory_space<vmem>>, vector<16xf32>,
      tpu.vector_store %arg14[%swap3A_59], %gather3A_58 {strides = array<i32>} : memref<4096xf32, #tpu.memory_space<vmem>>, vector<16xf32>,
      %scan3A_61 = arith.constant 2 : i32
      %scan3A_62 = arith.addi %scan3A_43, %scan3A_61 : i32
      %mul3A_63 = arith.constant 16 : i32
      %mul3A_64 = arith.muli %scan3A_62, %mul3A_63 : i32
      %add3A_65 = arith.constant 0 : i32
      %add3A_66 = arith.addi %add3A_65, %mul3A_64 : i32
      %get3A_67 = arith.index_cast %add3A_66 : i32 to index
      %get3A_68 = tpu.vector_load %arg11[%get3A_67] {strides = array<i32>} : memref<4096xi32, #tpu.memory_space<vmem>>, vector<16xi32>,
      %gather3A_69 = tpu.vector_load_idx %arg15[%get3A_68] : memref<100000xf32, #tpu.memory_space<vmem>>[vector<16xi32>], vector<16xf32>,
      %swap3A_70 = arith.index_cast %add3A_66 : i32 to index
      %swap3A_71 = tpu.vector_load %arg14[%swap3A_70] {strides = array<i32>} : memref<4096xf32, #tpu.memory_space<vmem>>, vector<16xf32>,
      tpu.vector_store %arg14[%swap3A_70], %gather3A_69 {strides = array<i32>} : memref<4096xf32, #tpu.memory_space<vmem>>, vector<16xf32>,
      %scan3A_72 = arith.constant 3 : i32
      %scan3A_73 = arith.addi %scan3A_43, %scan3A_72 : i32
      %mul3A_74 = arith.constant 16 : i32
      %mul3A_75 = arith.muli %scan3A_73, %mul3A_74 : i32
      %add3A_76 = arith.constant 0 : i32
      %add3A_77 = arith.addi %add3A_76, %mul3A_75 : i32
      %get3A_78 = arith.index_cast %add3A_77 : i32 to index
      %get3A_79 = tpu.vector_load %arg11[%get3A_78] {strides = array<i32>} : memref<4096xi32, #tpu.memory_space<vmem>>, vector<16xi32>,
      %gather3A_80 = tpu.vector_load_idx %arg15[%get3A_79] : memref<100000xf32, #tpu.memory_space<vmem>>[vector<16xi32>], vector<16xf32>,
      %swap3A_81 = arith.index_cast %add3A_77 : i32 to index
      %swap3A_82 = tpu.vector_load %arg14[%swap3A_81] {strides = array<i32>} : memref<4096xf32, #tpu.memory_space<vmem>>, vector<16xf32>,
      tpu.vector_store %arg14[%swap3A_81], %gather3A_80 {strides = array<i32>} : memref<4096xf32, #tpu.memory_space<vmem>>, vector<16xf32>,
      %scan3A_83 = arith.constant 4 : i32
      %scan3A_84 = arith.addi %scan3A_43, %scan3A_83 : i32
      %mul3A_85 = arith.constant 16 : i32
      %mul3A_86 = arith.muli %scan3A_84, %mul3A_85 : i32
      %add3A_87 = arith.constant 0 : i32
      %add3A_88 = arith.addi %add3A_87, %mul3A_86 : i32
      %get3A_89 = arith.index_cast %add3A_88 : i32 to index
      %get3A_90 = tpu.vector_load %arg11[%get3A_89] {strides = array<i32>} : memref<4096xi32, #tpu.memory_space<vmem>>, vector<16xi32>,
      %gather3A_91 = tpu.vector_load_idx %arg15[%get3A_90] : memref<100000xf32, #tpu.memory_space<vmem>>[vector<16xi32>], vector<16xf32>,
      %swap3A_92 = arith.index_cast %add3A_88 : i32 to index
      %swap3A_93 = tpu.vector_load %arg14[%swap3A_92] {strides = array<i32>} : memref<4096xf32, #tpu.memory_space<vmem>>, vector<16xf32>,
      tpu.vector_store %arg14[%swap3A_92], %gather3A_91 {strides = array<i32>} : memref<4096xf32, #tpu.memory_space<vmem>>, vector<16xf32>,
      %scan3A_94 = arith.constant 5 : i32
      %scan3A_95 = arith.addi %scan3A_43, %scan3A_94 : i32
      %mul3A_96 = arith.constant 16 : i32
      %mul3A_97 = arith.muli %scan3A_95, %mul3A_96 : i32
      %add3A_98 = arith.constant 0 : i32
      %add3A_99 = arith.addi %add3A_98, %mul3A_97 : i32
      %get3A_100 = arith.index_cast %add3A_99 : i32 to index
      %get3A_101 = tpu.vector_load %arg11[%get3A_100] {strides = array<i32>} : memref<4096xi32, #tpu.memory_space<vmem>>, vector<16xi32>,
      %gather3A_102 = tpu.vector_load_idx %arg15[%get3A_101] : memref<100000xf32, #tpu.memory_space<vmem>>[vector<16xi32>], vector<16xf32>,
      %swap3A_103 = arith.index_cast %add3A_99 : i32 to index
      %swap3A_104 = tpu.vector_load %arg14[%swap3A_103] {strides = array<i32>} : memref<4096xf32, #tpu.memory_space<vmem>>, vector<16xf32>,
      tpu.vector_store %arg14[%swap3A_103], %gather3A_102 {strides = array<i32>} : memref<4096xf32, #tpu.memory_space<vmem>>, vector<16xf32>,
      %scan3A_105 = arith.constant 6 : i32
      %scan3A_106 = arith.addi %scan3A_43, %scan3A_105 : i32
      %mul3A_107 = arith.constant 16 : i32
      %mul3A_108 = arith.muli %scan3A_106, %mul3A_107 : i32
      %add3A_109 = arith.constant 0 : i32
      %add3A_110 = arith.addi %add3A_109, %mul3A_108 : i32
      %get3A_111 = arith.index_cast %add3A_110 : i32 to index
      %get3A_112 = tpu.vector_load %arg11[%get3A_111] {strides = array<i32>} : memref<4096xi32, #tpu.memory_space<vmem>>, vector<16xi32>,
      %gather3A_113 = tpu.vector_load_idx %arg15[%get3A_112] : memref<100000xf32, #tpu.memory_space<vmem>>[vector<16xi32>], vector<16xf32>,
      %swap3A_114 = arith.index_cast %add3A_110 : i32 to index
      %swap3A_115 = tpu.vector_load %arg14[%swap3A_114] {strides = array<i32>} : memref<4096xf32, #tpu.memory_space<vmem>>, vector<16xf32>,
      tpu.vector_store %arg14[%swap3A_114], %gather3A_113 {strides = array<i32>} : memref<4096xf32, #tpu.memory_space<vmem>>, vector<16xf32>,
      %scan3A_116 = arith.constant 7 : i32
      %scan3A_117 = arith.addi %scan3A_43, %scan3A_116 : i32
      %mul3A_118 = arith.constant 16 : i32
      %mul3A_119 = arith.muli %scan3A_117, %mul3A_118 : i32
      %add3A_120 = arith.constant 0 : i32
      %add3A_121 = arith.addi %add3A_120, %mul3A_119 : i32
      %get3A_122 = arith.index_cast %add3A_121 : i32 to index
      %get3A_123 = tpu.vector_load %arg11[%get3A_122] {strides = array<i32>} : memref<4096xi32, #tpu.memory_space<vmem>>, vector<16xi32>,
      %gather3A_124 = tpu.vector_load_idx %arg15[%get3A_123] : memref<100000xf32, #tpu.memory_space<vmem>>[vector<16xi32>], vector<16xf32>,
      %swap3A_125 = arith.index_cast %add3A_121 : i32 to index
      %swap3A_126 = tpu.vector_load %arg14[%swap3A_125] {strides = array<i32>} : memref<4096xf32, #tpu.memory_space<vmem>>, vector<16xf32>,
      tpu.vector_store %arg14[%swap3A_125], %gather3A_124 {strides = array<i32>} : memref<4096xf32, #tpu.memory_space<vmem>>, vector<16xf32>,
    }
    %scan3A_18 = arith.constant 256 : i32
    "tpu.region"() ({
      %run_scoped3A = tpu.sem_alloc : memref<!tpu.dma_semaphore, #tpu.memory_space<semaphore_mem>>
      %dma_start3A_43 = arith.constant 0 : i32
      %dma_start3A_44 = tpu.memref_slice %arg8[%add3A, %dma_start3A_43] : memref<32x4096xf32, #tpu.memory_space<hbm>> -> memref<1x4096xf32, #tpu.memory_space<hbm>>
      %dma_start3A_45 = tpu.memref_squeeze %dma_start3A_44 : memref<1x4096xf32, #tpu.memory_space<hbm>> -> memref<4096xf32, #tpu.memory_space<hbm>>
      %dma_start3A_46 = arith.constant 0 : i32
      %dma_start3A_47 = tpu.memref_slice %arg8[%add3A, %dma_start3A_46] : memref<32x4096xf32, #tpu.memory_space<hbm>> -> memref<1x4096xf32, #tpu.memory_space<hbm>>
      %dma_start3A_48 = tpu.memref_squeeze %dma_start3A_47 : memref<1x4096xf32, #tpu.memory_space<hbm>> -> memref<4096xf32, #tpu.memory_space<hbm>>
      tpu.enqueue_dma source(%arg14 : memref<4096xf32, #tpu.memory_space<vmem>>) target(%dma_start3A_48 : memref<4096xf32, #tpu.memory_space<hbm>>) target_semaphore(%run_scoped3A : memref<!tpu.dma_semaphore, #tpu.memory_space<semaphore_mem>>)
      %dma_wait3A_49 = arith.constant 0 : i32
      %dma_wait3A_50 = tpu.memref_slice %arg8[%add3A, %dma_wait3A_49] : memref<32x4096xf32, #tpu.memory_space<hbm>> -> memref<1x4096xf32, #tpu.memory_space<hbm>>
      %dma_wait3A_51 = tpu.memref_squeeze %dma_wait3A_50 : memref<1x4096xf32, #tpu.memory_space<hbm>> -> memref<4096xf32, #tpu.memory_space<hbm>>
      %dma_wait3A_52 = arith.constant 0 : i32
      %dma_wait3A_53 = tpu.memref_slice %arg8[%add3A, %dma_wait3A_52] : memref<32x4096xf32, #tpu.memory_space<hbm>> -> memref<1x4096xf32, #tpu.memory_space<hbm>>
      %dma_wait3A_54 = tpu.memref_squeeze %dma_wait3A_53 : memref<1x4096xf32, #tpu.memory_space<hbm>> -> memref<4096xf32, #tpu.memory_space<hbm>>
      tpu.wait_dma2 semaphore(%run_scoped3A : memref<!tpu.dma_semaphore, #tpu.memory_space<semaphore_mem>>) src(%arg14 : memref<4096xf32, #tpu.memory_space<vmem>>) dst(%dma_wait3A_54 : memref<4096xf32, #tpu.memory_space<hbm>>)
      tpu.yield
    }) : () -> ()
    %dma_start3A_19 = arith.constant 0 : i32
    %dma_start3A_20 = tpu.memref_slice %arg6[%shift_right_arithmetic3A_1, %and3A_2, %dma_start3A_19] : memref<4x8x100000xf32, #tpu.memory_space<hbm>> -> memref<1x1x100000xf32, #tpu.memory_space<hbm>>
    %dma_start3A_21 = tpu.memref_squeeze %dma_start3A_20 : memref<1x1x100000xf32, #tpu.memory_space<hbm>> -> memref<100000xf32, #tpu.memory_space<hbm>>
    %dma_start3A_22 = arith.constant 0 : i32
    %dma_start3A_23 = tpu.memref_slice %arg6[%shift_right_arithmetic3A_1, %and3A_2, %dma_start3A_22] : memref<4x8x100000xf32, #tpu.memory_space<hbm>> -> memref<1x1x100000xf32, #tpu.memory_space<hbm>>
    %dma_start3A_24 = tpu.memref_squeeze %dma_start3A_23 : memref<1x1x100000xf32, #tpu.memory_space<hbm>> -> memref<100000xf32, #tpu.memory_space<hbm>>
    tpu.enqueue_dma source(%dma_start3A_24 : memref<100000xf32, #tpu.memory_space<hbm>>) target(%arg15 : memref<100000xf32, #tpu.memory_space<vmem>>) target_semaphore(%arg20 : memref<!tpu.dma_semaphore, #tpu.memory_space<semaphore_mem>>)
    %convert_element_type3A_25 = arith.extui %lt3A_8 : i1 to i32
    %cond3A_26 = arith.constant 0 : i32
    %cond3A_27 = arith.cmpi ne, %convert_element_type3A_25, %cond3A_26 : i32
    scf.if %cond3A_27 {
      tpu.wait_dma2 semaphore(%arg19 : memref<!tpu.dma_semaphore, #tpu.memory_space<semaphore_mem>>) src(%arg4 : memref<4096xi32, #tpu.memory_space<hbm>>) dst(%arg13 : memref<4096xi32, #tpu.memory_space<vmem>>)
      %scan3A_43 = arith.constant 0 : i32
      %scan3A_44 = arith.constant 256 : i32
      %scan3A_45 = arith.addi %scan3A_43, %scan3A_44 : i32
      %scan3A_46 = arith.constant 8 : i32
      scf.for %scan3A_48 = %scan3A_43 to %scan3A_45 step %scan3A_46  : i32 {
        %mul3A_49 = arith.constant 16 : i32
        %mul3A_50 = arith.muli %scan3A_48, %mul3A_49 : i32
        %add3A_51 = arith.constant 0 : i32
        %add3A_52 = arith.addi %add3A_51, %mul3A_50 : i32
        %get3A = arith.index_cast %add3A_52 : i32 to index
        %get3A_53 = tpu.vector_load %arg13[%get3A] {strides = array<i32>} : memref<4096xi32, #tpu.memory_space<vmem>>, vector<16xi32>,
        %gather3A = tpu.vector_load_idx %arg16[%get3A_53] : memref<1000xf32, #tpu.memory_space<vmem>>[vector<16xi32>], vector<16xf32>,
        %swap3A = arith.index_cast %add3A_52 : i32 to index
        %swap3A_54 = tpu.vector_load %arg14[%swap3A] {strides = array<i32>} : memref<4096xf32, #tpu.memory_space<vmem>>, vector<16xf32>,
        tpu.vector_store %arg14[%swap3A], %gather3A {strides = array<i32>} : memref<4096xf32, #tpu.memory_space<vmem>>, vector<16xf32>,
        %scan3A_55 = arith.constant 1 : i32
        %scan3A_56 = arith.addi %scan3A_48, %scan3A_55 : i32
        %mul3A_57 = arith.constant 16 : i32
        %mul3A_58 = arith.muli %scan3A_56, %mul3A_57 : i32
        %add3A_59 = arith.constant 0 : i32
        %add3A_60 = arith.addi %add3A_59, %mul3A_58 : i32
        %get3A_61 = arith.index_cast %add3A_60 : i32 to index
        %get3A_62 = tpu.vector_load %arg13[%get3A_61] {strides = array<i32>} : memref<4096xi32, #tpu.memory_space<vmem>>, vector<16xi32>,
        %gather3A_63 = tpu.vector_load_idx %arg16[%get3A_62] : memref<1000xf32, #tpu.memory_space<vmem>>[vector<16xi32>], vector<16xf32>,
        %swap3A_64 = arith.index_cast %add3A_60 : i32 to index
        %swap3A_65 = tpu.vector_load %arg14[%swap3A_64] {strides = array<i32>} : memref<4096xf32, #tpu.memory_space<vmem>>, vector<16xf32>,
        tpu.vector_store %arg14[%swap3A_64], %gather3A_63 {strides = array<i32>} : memref<4096xf32, #tpu.memory_space<vmem>>, vector<16xf32>,
        %scan3A_66 = arith.constant 2 : i32
        %scan3A_67 = arith.addi %scan3A_48, %scan3A_66 : i32
        %mul3A_68 = arith.constant 16 : i32
        %mul3A_69 = arith.muli %scan3A_67, %mul3A_68 : i32
        %add3A_70 = arith.constant 0 : i32
        %add3A_71 = arith.addi %add3A_70, %mul3A_69 : i32
        %get3A_72 = arith.index_cast %add3A_71 : i32 to index
        %get3A_73 = tpu.vector_load %arg13[%get3A_72] {strides = array<i32>} : memref<4096xi32, #tpu.memory_space<vmem>>, vector<16xi32>,
        %gather3A_74 = tpu.vector_load_idx %arg16[%get3A_73] : memref<1000xf32, #tpu.memory_space<vmem>>[vector<16xi32>], vector<16xf32>,
        %swap3A_75 = arith.index_cast %add3A_71 : i32 to index
        %swap3A_76 = tpu.vector_load %arg14[%swap3A_75] {strides = array<i32>} : memref<4096xf32, #tpu.memory_space<vmem>>, vector<16xf32>,
        tpu.vector_store %arg14[%swap3A_75], %gather3A_74 {strides = array<i32>} : memref<4096xf32, #tpu.memory_space<vmem>>, vector<16xf32>,
        %scan3A_77 = arith.constant 3 : i32
        %scan3A_78 = arith.addi %scan3A_48, %scan3A_77 : i32
        %mul3A_79 = arith.constant 16 : i32
        %mul3A_80 = arith.muli %scan3A_78, %mul3A_79 : i32
        %add3A_81 = arith.constant 0 : i32
        %add3A_82 = arith.addi %add3A_81, %mul3A_80 : i32
        %get3A_83 = arith.index_cast %add3A_82 : i32 to index
        %get3A_84 = tpu.vector_load %arg13[%get3A_83] {strides = array<i32>} : memref<4096xi32, #tpu.memory_space<vmem>>, vector<16xi32>,
        %gather3A_85 = tpu.vector_load_idx %arg16[%get3A_84] : memref<1000xf32, #tpu.memory_space<vmem>>[vector<16xi32>], vector<16xf32>,
        %swap3A_86 = arith.index_cast %add3A_82 : i32 to index
        %swap3A_87 = tpu.vector_load %arg14[%swap3A_86] {strides = array<i32>} : memref<4096xf32, #tpu.memory_space<vmem>>, vector<16xf32>,
        tpu.vector_store %arg14[%swap3A_86], %gather3A_85 {strides = array<i32>} : memref<4096xf32, #tpu.memory_space<vmem>>, vector<16xf32>,
        %scan3A_88 = arith.constant 4 : i32
        %scan3A_89 = arith.addi %scan3A_48, %scan3A_88 : i32
        %mul3A_90 = arith.constant 16 : i32
        %mul3A_91 = arith.muli %scan3A_89, %mul3A_90 : i32
        %add3A_92 = arith.constant 0 : i32
        %add3A_93 = arith.addi %add3A_92, %mul3A_91 : i32
        %get3A_94 = arith.index_cast %add3A_93 : i32 to index
        %get3A_95 = tpu.vector_load %arg13[%get3A_94] {strides = array<i32>} : memref<4096xi32, #tpu.memory_space<vmem>>, vector<16xi32>,
        %gather3A_96 = tpu.vector_load_idx %arg16[%get3A_95] : memref<1000xf32, #tpu.memory_space<vmem>>[vector<16xi32>], vector<16xf32>,
        %swap3A_97 = arith.index_cast %add3A_93 : i32 to index
        %swap3A_98 = tpu.vector_load %arg14[%swap3A_97] {strides = array<i32>} : memref<4096xf32, #tpu.memory_space<vmem>>, vector<16xf32>,
        tpu.vector_store %arg14[%swap3A_97], %gather3A_96 {strides = array<i32>} : memref<4096xf32, #tpu.memory_space<vmem>>, vector<16xf32>,
        %scan3A_99 = arith.constant 5 : i32
        %scan3A_100 = arith.addi %scan3A_48, %scan3A_99 : i32
        %mul3A_101 = arith.constant 16 : i32
        %mul3A_102 = arith.muli %scan3A_100, %mul3A_101 : i32
        %add3A_103 = arith.constant 0 : i32
        %add3A_104 = arith.addi %add3A_103, %mul3A_102 : i32
        %get3A_105 = arith.index_cast %add3A_104 : i32 to index
        %get3A_106 = tpu.vector_load %arg13[%get3A_105] {strides = array<i32>} : memref<4096xi32, #tpu.memory_space<vmem>>, vector<16xi32>,
        %gather3A_107 = tpu.vector_load_idx %arg16[%get3A_106] : memref<1000xf32, #tpu.memory_space<vmem>>[vector<16xi32>], vector<16xf32>,
        %swap3A_108 = arith.index_cast %add3A_104 : i32 to index
        %swap3A_109 = tpu.vector_load %arg14[%swap3A_108] {strides = array<i32>} : memref<4096xf32, #tpu.memory_space<vmem>>, vector<16xf32>,
        tpu.vector_store %arg14[%swap3A_108], %gather3A_107 {strides = array<i32>} : memref<4096xf32, #tpu.memory_space<vmem>>, vector<16xf32>,
        %scan3A_110 = arith.constant 6 : i32
        %scan3A_111 = arith.addi %scan3A_48, %scan3A_110 : i32
        %mul3A_112 = arith.constant 16 : i32
        %mul3A_113 = arith.muli %scan3A_111, %mul3A_112 : i32
        %add3A_114 = arith.constant 0 : i32
        %add3A_115 = arith.addi %add3A_114, %mul3A_113 : i32
        %get3A_116 = arith.index_cast %add3A_115 : i32 to index
        %get3A_117 = tpu.vector_load %arg13[%get3A_116] {strides = array<i32>} : memref<4096xi32, #tpu.memory_space<vmem>>, vector<16xi32>,
        %gather3A_118 = tpu.vector_load_idx %arg16[%get3A_117] : memref<1000xf32, #tpu.memory_space<vmem>>[vector<16xi32>], vector<16xf32>,
        %swap3A_119 = arith.index_cast %add3A_115 : i32 to index
        %swap3A_120 = tpu.vector_load %arg14[%swap3A_119] {strides = array<i32>} : memref<4096xf32, #tpu.memory_space<vmem>>, vector<16xf32>,
        tpu.vector_store %arg14[%swap3A_119], %gather3A_118 {strides = array<i32>} : memref<4096xf32, #tpu.memory_space<vmem>>, vector<16xf32>,
        %scan3A_121 = arith.constant 7 : i32
        %scan3A_122 = arith.addi %scan3A_48, %scan3A_121 : i32
        %mul3A_123 = arith.constant 16 : i32
        %mul3A_124 = arith.muli %scan3A_122, %mul3A_123 : i32
        %add3A_125 = arith.constant 0 : i32
        %add3A_126 = arith.addi %add3A_125, %mul3A_124 : i32
        %get3A_127 = arith.index_cast %add3A_126 : i32 to index
        %get3A_128 = tpu.vector_load %arg13[%get3A_127] {strides = array<i32>} : memref<4096xi32, #tpu.memory_space<vmem>>, vector<16xi32>,
        %gather3A_129 = tpu.vector_load_idx %arg16[%get3A_128] : memref<1000xf32, #tpu.memory_space<vmem>>[vector<16xi32>], vector<16xf32>,
        %swap3A_130 = arith.index_cast %add3A_126 : i32 to index
        %swap3A_131 = tpu.vector_load %arg14[%swap3A_130] {strides = array<i32>} : memref<4096xf32, #tpu.memory_space<vmem>>, vector<16xf32>,
        tpu.vector_store %arg14[%swap3A_130], %gather3A_129 {strides = array<i32>} : memref<4096xf32, #tpu.memory_space<vmem>>, vector<16xf32>,
      }
      %scan3A_47 = arith.constant 256 : i32
      "tpu.region"() ({
        %run_scoped3A = tpu.sem_alloc : memref<!tpu.dma_semaphore, #tpu.memory_space<semaphore_mem>>
        %dma_start3A_48 = arith.constant 0 : i32
        %dma_start3A_49 = tpu.memref_slice %arg10[%add3A, %dma_start3A_48] : memref<16x4096xf32, #tpu.memory_space<hbm>> -> memref<1x4096xf32, #tpu.memory_space<hbm>>
        %dma_start3A_50 = tpu.memref_squeeze %dma_start3A_49 : memref<1x4096xf32, #tpu.memory_space<hbm>> -> memref<4096xf32, #tpu.memory_space<hbm>>
        %dma_start3A_51 = arith.constant 0 : i32
        %dma_start3A_52 = tpu.memref_slice %arg10[%add3A, %dma_start3A_51] : memref<16x4096xf32, #tpu.memory_space<hbm>> -> memref<1x4096xf32, #tpu.memory_space<hbm>>
        %dma_start3A_53 = tpu.memref_squeeze %dma_start3A_52 : memref<1x4096xf32, #tpu.memory_space<hbm>> -> memref<4096xf32, #tpu.memory_space<hbm>>
        tpu.enqueue_dma source(%arg14 : memref<4096xf32, #tpu.memory_space<vmem>>) target(%dma_start3A_53 : memref<4096xf32, #tpu.memory_space<hbm>>) target_semaphore(%run_scoped3A : memref<!tpu.dma_semaphore, #tpu.memory_space<semaphore_mem>>)
        %dma_wait3A_54 = arith.constant 0 : i32
        %dma_wait3A_55 = tpu.memref_slice %arg10[%add3A, %dma_wait3A_54] : memref<16x4096xf32, #tpu.memory_space<hbm>> -> memref<1x4096xf32, #tpu.memory_space<hbm>>
        %dma_wait3A_56 = tpu.memref_squeeze %dma_wait3A_55 : memref<1x4096xf32, #tpu.memory_space<hbm>> -> memref<4096xf32, #tpu.memory_space<hbm>>
        %dma_wait3A_57 = arith.constant 0 : i32
        %dma_wait3A_58 = tpu.memref_slice %arg10[%add3A, %dma_wait3A_57] : memref<16x4096xf32, #tpu.memory_space<hbm>> -> memref<1x4096xf32, #tpu.memory_space<hbm>>
        %dma_wait3A_59 = tpu.memref_squeeze %dma_wait3A_58 : memref<1x4096xf32, #tpu.memory_space<hbm>> -> memref<4096xf32, #tpu.memory_space<hbm>>
        tpu.wait_dma2 semaphore(%run_scoped3A : memref<!tpu.dma_semaphore, #tpu.memory_space<semaphore_mem>>) src(%arg14 : memref<4096xf32, #tpu.memory_space<vmem>>) dst(%dma_wait3A_59 : memref<4096xf32, #tpu.memory_space<hbm>>)
        tpu.yield
      }) : () -> ()
    } else {
    }
    %not3A = arith.constant true
    %not3A_28 = arith.xori %lt3A_8, %not3A : i1
    %convert_element_type3A_29 = arith.extui %not3A_28 : i1 to i32
    %cond3A_30 = arith.constant 0 : i32
    %cond3A_31 = arith.cmpi ne, %convert_element_type3A_29, %cond3A_30 : i32
    scf.if %cond3A_31 {
      tpu.wait_dma2 semaphore(%arg19 : memref<!tpu.dma_semaphore, #tpu.memory_space<semaphore_mem>>) src(%arg4 : memref<4096xi32, #tpu.memory_space<hbm>>) dst(%arg13 : memref<4096xi32, #tpu.memory_space<vmem>>)
    } else {
    }
    %dma_wait3A_32 = arith.constant 0 : i32
    %dma_wait3A_33 = tpu.memref_slice %arg6[%shift_right_arithmetic3A_1, %and3A_2, %dma_wait3A_32] : memref<4x8x100000xf32, #tpu.memory_space<hbm>> -> memref<1x1x100000xf32, #tpu.memory_space<hbm>>
    %dma_wait3A_34 = tpu.memref_squeeze %dma_wait3A_33 : memref<1x1x100000xf32, #tpu.memory_space<hbm>> -> memref<100000xf32, #tpu.memory_space<hbm>>
    %dma_wait3A_35 = arith.constant 0 : i32
    %dma_wait3A_36 = tpu.memref_slice %arg6[%shift_right_arithmetic3A_1, %and3A_2, %dma_wait3A_35] : memref<4x8x100000xf32, #tpu.memory_space<hbm>> -> memref<1x1x100000xf32, #tpu.memory_space<hbm>>
    %dma_wait3A_37 = tpu.memref_squeeze %dma_wait3A_36 : memref<1x1x100000xf32, #tpu.memory_space<hbm>> -> memref<100000xf32, #tpu.memory_space<hbm>>
    tpu.wait_dma2 semaphore(%arg20 : memref<!tpu.dma_semaphore, #tpu.memory_space<semaphore_mem>>) src(%dma_wait3A_37 : memref<100000xf32, #tpu.memory_space<hbm>>) dst(%arg15 : memref<100000xf32, #tpu.memory_space<vmem>>)
    tpu.wait_dma2 semaphore(%arg18 : memref<!tpu.dma_semaphore, #tpu.memory_space<semaphore_mem>>) src(%arg3 : memref<4096xi32, #tpu.memory_space<hbm>>) dst(%arg12 : memref<4096xi32, #tpu.memory_space<vmem>>)
    %scan3A_38 = arith.constant 0 : i32
    %scan3A_39 = arith.constant 256 : i32
    %scan3A_40 = arith.addi %scan3A_38, %scan3A_39 : i32
    %scan3A_41 = arith.constant 8 : i32
    scf.for %scan3A_43 = %scan3A_38 to %scan3A_40 step %scan3A_41  : i32 {
      %mul3A_44 = arith.constant 16 : i32
      %mul3A_45 = arith.muli %scan3A_43, %mul3A_44 : i32
      %add3A_46 = arith.constant 0 : i32
      %add3A_47 = arith.addi %add3A_46, %mul3A_45 : i32
      %get3A = arith.index_cast %add3A_47 : i32 to index
      %get3A_48 = tpu.vector_load %arg12[%get3A] {strides = array<i32>} : memref<4096xi32, #tpu.memory_space<vmem>>, vector<16xi32>,
      %gather3A = tpu.vector_load_idx %arg15[%get3A_48] : memref<100000xf32, #tpu.memory_space<vmem>>[vector<16xi32>], vector<16xf32>,
      %swap3A = arith.index_cast %add3A_47 : i32 to index
      %swap3A_49 = tpu.vector_load %arg14[%swap3A] {strides = array<i32>} : memref<4096xf32, #tpu.memory_space<vmem>>, vector<16xf32>,
      tpu.vector_store %arg14[%swap3A], %gather3A {strides = array<i32>} : memref<4096xf32, #tpu.memory_space<vmem>>, vector<16xf32>,
      %scan3A_50 = arith.constant 1 : i32
      %scan3A_51 = arith.addi %scan3A_43, %scan3A_50 : i32
      %mul3A_52 = arith.constant 16 : i32
      %mul3A_53 = arith.muli %scan3A_51, %mul3A_52 : i32
      %add3A_54 = arith.constant 0 : i32
      %add3A_55 = arith.addi %add3A_54, %mul3A_53 : i32
      %get3A_56 = arith.index_cast %add3A_55 : i32 to index
      %get3A_57 = tpu.vector_load %arg12[%get3A_56] {strides = array<i32>} : memref<4096xi32, #tpu.memory_space<vmem>>, vector<16xi32>,
      %gather3A_58 = tpu.vector_load_idx %arg15[%get3A_57] : memref<100000xf32, #tpu.memory_space<vmem>>[vector<16xi32>], vector<16xf32>,
      %swap3A_59 = arith.index_cast %add3A_55 : i32 to index
      %swap3A_60 = tpu.vector_load %arg14[%swap3A_59] {strides = array<i32>} : memref<4096xf32, #tpu.memory_space<vmem>>, vector<16xf32>,
      tpu.vector_store %arg14[%swap3A_59], %gather3A_58 {strides = array<i32>} : memref<4096xf32, #tpu.memory_space<vmem>>, vector<16xf32>,
      %scan3A_61 = arith.constant 2 : i32
      %scan3A_62 = arith.addi %scan3A_43, %scan3A_61 : i32
      %mul3A_63 = arith.constant 16 : i32
      %mul3A_64 = arith.muli %scan3A_62, %mul3A_63 : i32
      %add3A_65 = arith.constant 0 : i32
      %add3A_66 = arith.addi %add3A_65, %mul3A_64 : i32
      %get3A_67 = arith.index_cast %add3A_66 : i32 to index
      %get3A_68 = tpu.vector_load %arg12[%get3A_67] {strides = array<i32>} : memref<4096xi32, #tpu.memory_space<vmem>>, vector<16xi32>,
      %gather3A_69 = tpu.vector_load_idx %arg15[%get3A_68] : memref<100000xf32, #tpu.memory_space<vmem>>[vector<16xi32>], vector<16xf32>,
      %swap3A_70 = arith.index_cast %add3A_66 : i32 to index
      %swap3A_71 = tpu.vector_load %arg14[%swap3A_70] {strides = array<i32>} : memref<4096xf32, #tpu.memory_space<vmem>>, vector<16xf32>,
      tpu.vector_store %arg14[%swap3A_70], %gather3A_69 {strides = array<i32>} : memref<4096xf32, #tpu.memory_space<vmem>>, vector<16xf32>,
      %scan3A_72 = arith.constant 3 : i32
      %scan3A_73 = arith.addi %scan3A_43, %scan3A_72 : i32
      %mul3A_74 = arith.constant 16 : i32
      %mul3A_75 = arith.muli %scan3A_73, %mul3A_74 : i32
      %add3A_76 = arith.constant 0 : i32
      %add3A_77 = arith.addi %add3A_76, %mul3A_75 : i32
      %get3A_78 = arith.index_cast %add3A_77 : i32 to index
      %get3A_79 = tpu.vector_load %arg12[%get3A_78] {strides = array<i32>} : memref<4096xi32, #tpu.memory_space<vmem>>, vector<16xi32>,
      %gather3A_80 = tpu.vector_load_idx %arg15[%get3A_79] : memref<100000xf32, #tpu.memory_space<vmem>>[vector<16xi32>], vector<16xf32>,
      %swap3A_81 = arith.index_cast %add3A_77 : i32 to index
      %swap3A_82 = tpu.vector_load %arg14[%swap3A_81] {strides = array<i32>} : memref<4096xf32, #tpu.memory_space<vmem>>, vector<16xf32>,
      tpu.vector_store %arg14[%swap3A_81], %gather3A_80 {strides = array<i32>} : memref<4096xf32, #tpu.memory_space<vmem>>, vector<16xf32>,
      %scan3A_83 = arith.constant 4 : i32
      %scan3A_84 = arith.addi %scan3A_43, %scan3A_83 : i32
      %mul3A_85 = arith.constant 16 : i32
      %mul3A_86 = arith.muli %scan3A_84, %mul3A_85 : i32
      %add3A_87 = arith.constant 0 : i32
      %add3A_88 = arith.addi %add3A_87, %mul3A_86 : i32
      %get3A_89 = arith.index_cast %add3A_88 : i32 to index
      %get3A_90 = tpu.vector_load %arg12[%get3A_89] {strides = array<i32>} : memref<4096xi32, #tpu.memory_space<vmem>>, vector<16xi32>,
      %gather3A_91 = tpu.vector_load_idx %arg15[%get3A_90] : memref<100000xf32, #tpu.memory_space<vmem>>[vector<16xi32>], vector<16xf32>,
      %swap3A_92 = arith.index_cast %add3A_88 : i32 to index
      %swap3A_93 = tpu.vector_load %arg14[%swap3A_92] {strides = array<i32>} : memref<4096xf32, #tpu.memory_space<vmem>>, vector<16xf32>,
      tpu.vector_store %arg14[%swap3A_92], %gather3A_91 {strides = array<i32>} : memref<4096xf32, #tpu.memory_space<vmem>>, vector<16xf32>,
      %scan3A_94 = arith.constant 5 : i32
      %scan3A_95 = arith.addi %scan3A_43, %scan3A_94 : i32
      %mul3A_96 = arith.constant 16 : i32
      %mul3A_97 = arith.muli %scan3A_95, %mul3A_96 : i32
      %add3A_98 = arith.constant 0 : i32
      %add3A_99 = arith.addi %add3A_98, %mul3A_97 : i32
      %get3A_100 = arith.index_cast %add3A_99 : i32 to index
      %get3A_101 = tpu.vector_load %arg12[%get3A_100] {strides = array<i32>} : memref<4096xi32, #tpu.memory_space<vmem>>, vector<16xi32>,
      %gather3A_102 = tpu.vector_load_idx %arg15[%get3A_101] : memref<100000xf32, #tpu.memory_space<vmem>>[vector<16xi32>], vector<16xf32>,
      %swap3A_103 = arith.index_cast %add3A_99 : i32 to index
      %swap3A_104 = tpu.vector_load %arg14[%swap3A_103] {strides = array<i32>} : memref<4096xf32, #tpu.memory_space<vmem>>, vector<16xf32>,
      tpu.vector_store %arg14[%swap3A_103], %gather3A_102 {strides = array<i32>} : memref<4096xf32, #tpu.memory_space<vmem>>, vector<16xf32>,
      %scan3A_105 = arith.constant 6 : i32
      %scan3A_106 = arith.addi %scan3A_43, %scan3A_105 : i32
      %mul3A_107 = arith.constant 16 : i32
      %mul3A_108 = arith.muli %scan3A_106, %mul3A_107 : i32
      %add3A_109 = arith.constant 0 : i32
      %add3A_110 = arith.addi %add3A_109, %mul3A_108 : i32
      %get3A_111 = arith.index_cast %add3A_110 : i32 to index
      %get3A_112 = tpu.vector_load %arg12[%get3A_111] {strides = array<i32>} : memref<4096xi32, #tpu.memory_space<vmem>>, vector<16xi32>,
      %gather3A_113 = tpu.vector_load_idx %arg15[%get3A_112] : memref<100000xf32, #tpu.memory_space<vmem>>[vector<16xi32>], vector<16xf32>,
      %swap3A_114 = arith.index_cast %add3A_110 : i32 to index
      %swap3A_115 = tpu.vector_load %arg14[%swap3A_114] {strides = array<i32>} : memref<4096xf32, #tpu.memory_space<vmem>>, vector<16xf32>,
      tpu.vector_store %arg14[%swap3A_114], %gather3A_113 {strides = array<i32>} : memref<4096xf32, #tpu.memory_space<vmem>>, vector<16xf32>,
      %scan3A_116 = arith.constant 7 : i32
      %scan3A_117 = arith.addi %scan3A_43, %scan3A_116 : i32
      %mul3A_118 = arith.constant 16 : i32
      %mul3A_119 = arith.muli %scan3A_117, %mul3A_118 : i32
      %add3A_120 = arith.constant 0 : i32
      %add3A_121 = arith.addi %add3A_120, %mul3A_119 : i32
      %get3A_122 = arith.index_cast %add3A_121 : i32 to index
      %get3A_123 = tpu.vector_load %arg12[%get3A_122] {strides = array<i32>} : memref<4096xi32, #tpu.memory_space<vmem>>, vector<16xi32>,
      %gather3A_124 = tpu.vector_load_idx %arg15[%get3A_123] : memref<100000xf32, #tpu.memory_space<vmem>>[vector<16xi32>], vector<16xf32>,
      %swap3A_125 = arith.index_cast %add3A_121 : i32 to index
      %swap3A_126 = tpu.vector_load %arg14[%swap3A_125] {strides = array<i32>} : memref<4096xf32, #tpu.memory_space<vmem>>, vector<16xf32>,
      tpu.vector_store %arg14[%swap3A_125], %gather3A_124 {strides = array<i32>} : memref<4096xf32, #tpu.memory_space<vmem>>, vector<16xf32>,
    }
    %scan3A_42 = arith.constant 256 : i32
    "tpu.region"() ({
      %run_scoped3A = tpu.sem_alloc : memref<!tpu.dma_semaphore, #tpu.memory_space<semaphore_mem>>
      %dma_start3A_43 = arith.constant 0 : i32
      %dma_start3A_44 = tpu.memref_slice %arg9[%add3A, %dma_start3A_43] : memref<32x4096xf32, #tpu.memory_space<hbm>> -> memref<1x4096xf32, #tpu.memory_space<hbm>>
      %dma_start3A_45 = tpu.memref_squeeze %dma_start3A_44 : memref<1x4096xf32, #tpu.memory_space<hbm>> -> memref<4096xf32, #tpu.memory_space<hbm>>
      %dma_start3A_46 = arith.constant 0 : i32
      %dma_start3A_47 = tpu.memref_slice %arg9[%add3A, %dma_start3A_46] : memref<32x4096xf32, #tpu.memory_space<hbm>> -> memref<1x4096xf32, #tpu.memory_space<hbm>>
      %dma_start3A_48 = tpu.memref_squeeze %dma_start3A_47 : memref<1x4096xf32, #tpu.memory_space<hbm>> -> memref<4096xf32, #tpu.memory_space<hbm>>
      tpu.enqueue_dma source(%arg14 : memref<4096xf32, #tpu.memory_space<vmem>>) target(%dma_start3A_48 : memref<4096xf32, #tpu.memory_space<hbm>>) target_semaphore(%run_scoped3A : memref<!tpu.dma_semaphore, #tpu.memory_space<semaphore_mem>>)
      %dma_wait3A_49 = arith.constant 0 : i32
      %dma_wait3A_50 = tpu.memref_slice %arg9[%add3A, %dma_wait3A_49] : memref<32x4096xf32, #tpu.memory_space<hbm>> -> memref<1x4096xf32, #tpu.memory_space<hbm>>
      %dma_wait3A_51 = tpu.memref_squeeze %dma_wait3A_50 : memref<1x4096xf32, #tpu.memory_space<hbm>> -> memref<4096xf32, #tpu.memory_space<hbm>>
      %dma_wait3A_52 = arith.constant 0 : i32
      %dma_wait3A_53 = tpu.memref_slice %arg9[%add3A, %dma_wait3A_52] : memref<32x4096xf32, #tpu.memory_space<hbm>> -> memref<1x4096xf32, #tpu.memory_space<hbm>>
      %dma_wait3A_54 = tpu.memref_squeeze %dma_wait3A_53 : memref<1x4096xf32, #tpu.memory_space<hbm>> -> memref<4096xf32, #tpu.memory_space<hbm>>
      tpu.wait_dma2 semaphore(%run_scoped3A : memref<!tpu.dma_semaphore, #tpu.memory_space<semaphore_mem>>) src(%arg14 : memref<4096xf32, #tpu.memory_space<vmem>>) dst(%dma_wait3A_54 : memref<4096xf32, #tpu.memory_space<hbm>>)
      tpu.yield
    }) : () -> ()
    return
  }
}

module attributes {stable_mosaic.version = 14 : i64} {
  func.func @_mlp_body(%arg0: memref<4096x128xf32, #tpu.memory_space<vmem>>, %arg1: memref<32x4096xf32, #tpu.memory_space<vmem>>, %arg2: memref<32x4096xf32, #tpu.memory_space<vmem>>, %arg3: memref<16x4096xf32, #tpu.memory_space<vmem>>, %arg4: memref<128x512xf32, #tpu.memory_space<vmem>>, %arg5: memref<32x512xf32, #tpu.memory_space<vmem>>, %arg6: memref<32x512xf32, #tpu.memory_space<vmem>>, %arg7: memref<16x512xf32, #tpu.memory_space<vmem>>, %arg8: memref<1x512xf32, #tpu.memory_space<vmem>>, %arg9: memref<512x256xf32, #tpu.memory_space<vmem>>, %arg10: memref<1x256xf32, #tpu.memory_space<vmem>>, %arg11: memref<256x128xf32, #tpu.memory_space<vmem>>, %arg12: memref<1x128xf32, #tpu.memory_space<vmem>>, %arg13: memref<128x256xf32, #tpu.memory_space<vmem>>, %arg14: memref<1x256xf32, #tpu.memory_space<vmem>>, %arg15: memref<1x512xf32, #tpu.memory_space<vmem>>, %arg16: memref<1x512xf32, #tpu.memory_space<vmem>>, %arg17: memref<1x256xf32, #tpu.memory_space<vmem>>, %arg18: memref<1x256xf32, #tpu.memory_space<vmem>>, %arg19: memref<1x128xf32, #tpu.memory_space<vmem>>, %arg20: memref<1x128xf32, #tpu.memory_space<vmem>>, %arg21: memref<4096x256xf32, #tpu.memory_space<vmem>>) attributes {dimension_semantics = [], scalar_prefetch = 0 : i64, scratch_operands = 0 : i64, tpu.core_type = #tpu.core_type<tc>} {
    %get3A = arith.constant 0 : index
    %get3A_0 = arith.constant 0 : index
    %get3A_1 = vector.load %arg0[%get3A, %get3A_0] : memref<4096x128xf32, #tpu.memory_space<vmem>>, vector<4096x128xf32>
    %get3A_2 = arith.constant 0 : index
    %get3A_3 = arith.constant 0 : index
    %get3A_4 = vector.load %arg4[%get3A_2, %get3A_3] : memref<128x512xf32, #tpu.memory_space<vmem>>, vector<128x512xf32>
    %convert_element_type3A = arith.truncf %get3A_1 : vector<4096x128xf32> to vector<4096x128xbf16>
    %convert_element_type3A_5 = arith.truncf %get3A_4 : vector<128x512xf32> to vector<128x512xbf16>
    %dot_general3A = arith.constant dense<0.000000e+00> : vector<4096x512xf32>
    %dot_general3A_6 = tpu.matmul %convert_element_type3A, %convert_element_type3A_5, %dot_general3A {dimension_numbers = #tpu.dot_dimension_numbers<[1], [0], [0], [1], [0, 0, 1, 1], [], []>, transpose_lhs_hint = false} : vector<4096x128xbf16>, vector<128x512xbf16>, vector<4096x512xf32> -> vector<4096x512xf32>
    %get3A_7 = arith.constant 0 : index
    %get3A_8 = arith.constant 0 : index
    %get3A_9 = vector.load %arg1[%get3A_7, %get3A_8] : memref<32x4096xf32, #tpu.memory_space<vmem>>, vector<32x4096xf32>
    %get3A_10 = arith.constant 0 : index
    %get3A_11 = arith.constant 0 : index
    %get3A_12 = vector.load %arg5[%get3A_10, %get3A_11] : memref<32x512xf32, #tpu.memory_space<vmem>>, vector<32x512xf32>
    %convert_element_type3A_13 = arith.truncf %get3A_9 : vector<32x4096xf32> to vector<32x4096xbf16>
    %convert_element_type3A_14 = arith.truncf %get3A_12 : vector<32x512xf32> to vector<32x512xbf16>
    %dot_general3A_15 = arith.constant dense<0.000000e+00> : vector<4096x512xf32>
    %dot_general3A_16 = tpu.matmul %convert_element_type3A_13, %convert_element_type3A_14, %dot_general3A_15 {dimension_numbers = #tpu.dot_dimension_numbers<[0], [0], [1], [1], [0, 1, 1, 1], [], []>, transpose_lhs_hint = false} : vector<32x4096xbf16>, vector<32x512xbf16>, vector<4096x512xf32> -> vector<4096x512xf32>
    %add3A = arith.addf %dot_general3A_6, %dot_general3A_16 : vector<4096x512xf32>
    %get3A_17 = arith.constant 0 : index
    %get3A_18 = arith.constant 0 : index
    %get3A_19 = vector.load %arg2[%get3A_17, %get3A_18] : memref<32x4096xf32, #tpu.memory_space<vmem>>, vector<32x4096xf32>
    %get3A_20 = arith.constant 0 : index
    %get3A_21 = arith.constant 0 : index
    %get3A_22 = vector.load %arg6[%get3A_20, %get3A_21] : memref<32x512xf32, #tpu.memory_space<vmem>>, vector<32x512xf32>
    %convert_element_type3A_23 = arith.truncf %get3A_19 : vector<32x4096xf32> to vector<32x4096xbf16>
    %convert_element_type3A_24 = arith.truncf %get3A_22 : vector<32x512xf32> to vector<32x512xbf16>
    %dot_general3A_25 = arith.constant dense<0.000000e+00> : vector<4096x512xf32>
    %dot_general3A_26 = tpu.matmul %convert_element_type3A_23, %convert_element_type3A_24, %dot_general3A_25 {dimension_numbers = #tpu.dot_dimension_numbers<[0], [0], [1], [1], [0, 1, 1, 1], [], []>, transpose_lhs_hint = false} : vector<32x4096xbf16>, vector<32x512xbf16>, vector<4096x512xf32> -> vector<4096x512xf32>
    %add3A_27 = arith.addf %add3A, %dot_general3A_26 : vector<4096x512xf32>
    %get3A_28 = arith.constant 0 : index
    %get3A_29 = arith.constant 0 : index
    %get3A_30 = vector.load %arg3[%get3A_28, %get3A_29] : memref<16x4096xf32, #tpu.memory_space<vmem>>, vector<16x4096xf32>
    %get3A_31 = arith.constant 0 : index
    %get3A_32 = arith.constant 0 : index
    %get3A_33 = vector.load %arg7[%get3A_31, %get3A_32] : memref<16x512xf32, #tpu.memory_space<vmem>>, vector<16x512xf32>
    %convert_element_type3A_34 = arith.truncf %get3A_30 : vector<16x4096xf32> to vector<16x4096xbf16>
    %convert_element_type3A_35 = arith.truncf %get3A_33 : vector<16x512xf32> to vector<16x512xbf16>
    %dot_general3A_36 = arith.constant dense<0.000000e+00> : vector<4096x512xf32>
    %dot_general3A_37 = tpu.matmul %convert_element_type3A_34, %convert_element_type3A_35, %dot_general3A_36 {dimension_numbers = #tpu.dot_dimension_numbers<[0], [0], [1], [1], [0, 1, 1, 1], [], []>, transpose_lhs_hint = false} : vector<16x4096xbf16>, vector<16x512xbf16>, vector<4096x512xf32> -> vector<4096x512xf32>
    %add3A_38 = arith.addf %add3A_27, %dot_general3A_37 : vector<4096x512xf32>
    %get3A_39 = arith.constant 0 : index
    %get3A_40 = arith.constant 0 : index
    %get3A_41 = vector.load %arg8[%get3A_39, %get3A_40] : memref<1x512xf32, #tpu.memory_space<vmem>>, vector<1x512xf32>
    %add3A_42 = vector.broadcast %get3A_41 : vector<1x512xf32> to vector<4096x512xf32>
    %add3A_43 = arith.addf %add3A_38, %add3A_42 : vector<4096x512xf32>
    %get3A_44 = arith.constant 0 : index
    %get3A_45 = arith.constant 0 : index
    %get3A_46 = vector.load %arg15[%get3A_44, %get3A_45] : memref<1x512xf32, #tpu.memory_space<vmem>>, vector<1x512xf32>
    %get3A_47 = arith.constant 0 : index
    %get3A_48 = arith.constant 0 : index
    %get3A_49 = vector.load %arg16[%get3A_47, %get3A_48] : memref<1x512xf32, #tpu.memory_space<vmem>>, vector<1x512xf32>
    %broadcast_in_dim3A = arith.constant 1.000000e+00 : f32
    %broadcast_in_dim3A_50 = vector.broadcast %broadcast_in_dim3A : f32 to vector<1x4096xf32>
    %dot_general3A_51 = arith.constant dense<0.000000e+00> : vector<1x512xf32>
    %dot_general3A_52 = tpu.matmul %broadcast_in_dim3A_50, %add3A_43, %dot_general3A_51 {dimension_numbers = #tpu.dot_dimension_numbers<[1], [0], [0], [1], [0, 0, 1, 1], [], []>, transpose_lhs_hint = false} : vector<1x4096xf32>, vector<4096x512xf32>, vector<1x512xf32> -> vector<1x512xf32>
    %div3A = arith.constant 4.096000e+03 : f32
    %div3A_53 = vector.broadcast %div3A : f32 to vector<1x512xf32>
    %div3A_54 = arith.divf %dot_general3A_52, %div3A_53 : vector<1x512xf32>
    %mul3A = arith.mulf %add3A_43, %add3A_43 : vector<4096x512xf32>
    %dot_general3A_55 = arith.constant dense<0.000000e+00> : vector<1x512xf32>
    %dot_general3A_56 = tpu.matmul %broadcast_in_dim3A_50, %mul3A, %dot_general3A_55 {dimension_numbers = #tpu.dot_dimension_numbers<[1], [0], [0], [1], [0, 0, 1, 1], [], []>, transpose_lhs_hint = false} : vector<1x4096xf32>, vector<4096x512xf32>, vector<1x512xf32> -> vector<1x512xf32>
    %div3A_57 = arith.constant 4.096000e+03 : f32
    %div3A_58 = vector.broadcast %div3A_57 : f32 to vector<1x512xf32>
    %div3A_59 = arith.divf %dot_general3A_56, %div3A_58 : vector<1x512xf32>
    %mul3A_60 = arith.mulf %div3A_54, %div3A_54 : vector<1x512xf32>
    %sub3A = arith.subf %div3A_59, %mul3A_60 : vector<1x512xf32>
    %add3A_61 = arith.constant 9.99999974E-6 : f32
    %add3A_62 = vector.broadcast %add3A_61 : f32 to vector<1x512xf32>
    %add3A_63 = arith.addf %sub3A, %add3A_62 : vector<1x512xf32>
    %rsqrt3A = math.rsqrt %add3A_63 : vector<1x512xf32>
    %mul3A_64 = arith.mulf %get3A_46, %rsqrt3A : vector<1x512xf32>
    %mul3A_65 = arith.mulf %div3A_54, %mul3A_64 : vector<1x512xf32>
    %sub3A_66 = arith.subf %get3A_49, %mul3A_65 : vector<1x512xf32>
    %mul3A_67 = vector.broadcast %mul3A_64 : vector<1x512xf32> to vector<4096x512xf32>
    %mul3A_68 = arith.mulf %add3A_43, %mul3A_67 : vector<4096x512xf32>
    %add3A_69 = vector.broadcast %sub3A_66 : vector<1x512xf32> to vector<4096x512xf32>
    %add3A_70 = arith.addf %mul3A_68, %add3A_69 : vector<4096x512xf32>
    %max3A = arith.constant 0.000000e+00 : f32
    %max3A_71 = vector.broadcast %max3A : f32 to vector<4096x512xf32>
    %max3A_72 = arith.maximumf %add3A_70, %max3A_71 : vector<4096x512xf32>
    %get3A_73 = arith.constant 0 : index
    %get3A_74 = arith.constant 0 : index
    %get3A_75 = vector.load %arg9[%get3A_73, %get3A_74] : memref<512x256xf32, #tpu.memory_space<vmem>>, vector<512x256xf32>
    %convert_element_type3A_76 = arith.truncf %max3A_72 : vector<4096x512xf32> to vector<4096x512xbf16>
    %convert_element_type3A_77 = arith.truncf %get3A_75 : vector<512x256xf32> to vector<512x256xbf16>
    %dot_general3A_78 = arith.constant dense<0.000000e+00> : vector<4096x256xf32>
    %dot_general3A_79 = tpu.matmul %convert_element_type3A_76, %convert_element_type3A_77, %dot_general3A_78 {dimension_numbers = #tpu.dot_dimension_numbers<[1], [0], [0], [1], [0, 0, 1, 1], [], []>, transpose_lhs_hint = false} : vector<4096x512xbf16>, vector<512x256xbf16>, vector<4096x256xf32> -> vector<4096x256xf32>
    %get3A_80 = arith.constant 0 : index
    %get3A_81 = arith.constant 0 : index
    %get3A_82 = vector.load %arg10[%get3A_80, %get3A_81] : memref<1x256xf32, #tpu.memory_space<vmem>>, vector<1x256xf32>
    %add3A_83 = vector.broadcast %get3A_82 : vector<1x256xf32> to vector<4096x256xf32>
    %add3A_84 = arith.addf %dot_general3A_79, %add3A_83 : vector<4096x256xf32>
    %get3A_85 = arith.constant 0 : index
    %get3A_86 = arith.constant 0 : index
    %get3A_87 = vector.load %arg17[%get3A_85, %get3A_86] : memref<1x256xf32, #tpu.memory_space<vmem>>, vector<1x256xf32>
    %get3A_88 = arith.constant 0 : index
    %get3A_89 = arith.constant 0 : index
    %get3A_90 = vector.load %arg18[%get3A_88, %get3A_89] : memref<1x256xf32, #tpu.memory_space<vmem>>, vector<1x256xf32>
    %broadcast_in_dim3A_91 = arith.constant 1.000000e+00 : f32
    %broadcast_in_dim3A_92 = vector.broadcast %broadcast_in_dim3A_91 : f32 to vector<1x4096xf32>
    %dot_general3A_93 = arith.constant dense<0.000000e+00> : vector<1x256xf32>
    %dot_general3A_94 = tpu.matmul %broadcast_in_dim3A_92, %add3A_84, %dot_general3A_93 {dimension_numbers = #tpu.dot_dimension_numbers<[1], [0], [0], [1], [0, 0, 1, 1], [], []>, transpose_lhs_hint = false} : vector<1x4096xf32>, vector<4096x256xf32>, vector<1x256xf32> -> vector<1x256xf32>
    %div3A_95 = arith.constant 4.096000e+03 : f32
    %div3A_96 = vector.broadcast %div3A_95 : f32 to vector<1x256xf32>
    %div3A_97 = arith.divf %dot_general3A_94, %div3A_96 : vector<1x256xf32>
    %mul3A_98 = arith.mulf %add3A_84, %add3A_84 : vector<4096x256xf32>
    %dot_general3A_99 = arith.constant dense<0.000000e+00> : vector<1x256xf32>
    %dot_general3A_100 = tpu.matmul %broadcast_in_dim3A_92, %mul3A_98, %dot_general3A_99 {dimension_numbers = #tpu.dot_dimension_numbers<[1], [0], [0], [1], [0, 0, 1, 1], [], []>, transpose_lhs_hint = false} : vector<1x4096xf32>, vector<4096x256xf32>, vector<1x256xf32> -> vector<1x256xf32>
    %div3A_101 = arith.constant 4.096000e+03 : f32
    %div3A_102 = vector.broadcast %div3A_101 : f32 to vector<1x256xf32>
    %div3A_103 = arith.divf %dot_general3A_100, %div3A_102 : vector<1x256xf32>
    %mul3A_104 = arith.mulf %div3A_97, %div3A_97 : vector<1x256xf32>
    %sub3A_105 = arith.subf %div3A_103, %mul3A_104 : vector<1x256xf32>
    %add3A_106 = arith.constant 9.99999974E-6 : f32
    %add3A_107 = vector.broadcast %add3A_106 : f32 to vector<1x256xf32>
    %add3A_108 = arith.addf %sub3A_105, %add3A_107 : vector<1x256xf32>
    %rsqrt3A_109 = math.rsqrt %add3A_108 : vector<1x256xf32>
    %mul3A_110 = arith.mulf %get3A_87, %rsqrt3A_109 : vector<1x256xf32>
    %mul3A_111 = arith.mulf %div3A_97, %mul3A_110 : vector<1x256xf32>
    %sub3A_112 = arith.subf %get3A_90, %mul3A_111 : vector<1x256xf32>
    %mul3A_113 = vector.broadcast %mul3A_110 : vector<1x256xf32> to vector<4096x256xf32>
    %mul3A_114 = arith.mulf %add3A_84, %mul3A_113 : vector<4096x256xf32>
    %add3A_115 = vector.broadcast %sub3A_112 : vector<1x256xf32> to vector<4096x256xf32>
    %add3A_116 = arith.addf %mul3A_114, %add3A_115 : vector<4096x256xf32>
    %max3A_117 = arith.constant 0.000000e+00 : f32
    %max3A_118 = vector.broadcast %max3A_117 : f32 to vector<4096x256xf32>
    %max3A_119 = arith.maximumf %add3A_116, %max3A_118 : vector<4096x256xf32>
    %get3A_120 = arith.constant 0 : index
    %get3A_121 = arith.constant 0 : index
    %get3A_122 = vector.load %arg11[%get3A_120, %get3A_121] : memref<256x128xf32, #tpu.memory_space<vmem>>, vector<256x128xf32>
    %convert_element_type3A_123 = arith.truncf %max3A_119 : vector<4096x256xf32> to vector<4096x256xbf16>
    %convert_element_type3A_124 = arith.truncf %get3A_122 : vector<256x128xf32> to vector<256x128xbf16>
    %dot_general3A_125 = arith.constant dense<0.000000e+00> : vector<4096x128xf32>
    %dot_general3A_126 = tpu.matmul %convert_element_type3A_123, %convert_element_type3A_124, %dot_general3A_125 {dimension_numbers = #tpu.dot_dimension_numbers<[1], [0], [0], [1], [0, 0, 1, 1], [], []>, transpose_lhs_hint = false} : vector<4096x256xbf16>, vector<256x128xbf16>, vector<4096x128xf32> -> vector<4096x128xf32>
    %get3A_127 = arith.constant 0 : index
    %get3A_128 = arith.constant 0 : index
    %get3A_129 = vector.load %arg12[%get3A_127, %get3A_128] : memref<1x128xf32, #tpu.memory_space<vmem>>, vector<1x128xf32>
    %add3A_130 = vector.broadcast %get3A_129 : vector<1x128xf32> to vector<4096x128xf32>
    %add3A_131 = arith.addf %dot_general3A_126, %add3A_130 : vector<4096x128xf32>
    %get3A_132 = arith.constant 0 : index
    %get3A_133 = arith.constant 0 : index
    %get3A_134 = vector.load %arg19[%get3A_132, %get3A_133] : memref<1x128xf32, #tpu.memory_space<vmem>>, vector<1x128xf32>
    %get3A_135 = arith.constant 0 : index
    %get3A_136 = arith.constant 0 : index
    %get3A_137 = vector.load %arg20[%get3A_135, %get3A_136] : memref<1x128xf32, #tpu.memory_space<vmem>>, vector<1x128xf32>
    %broadcast_in_dim3A_138 = arith.constant 1.000000e+00 : f32
    %broadcast_in_dim3A_139 = vector.broadcast %broadcast_in_dim3A_138 : f32 to vector<1x4096xf32>
    %dot_general3A_140 = arith.constant dense<0.000000e+00> : vector<1x128xf32>
    %dot_general3A_141 = tpu.matmul %broadcast_in_dim3A_139, %add3A_131, %dot_general3A_140 {dimension_numbers = #tpu.dot_dimension_numbers<[1], [0], [0], [1], [0, 0, 1, 1], [], []>, transpose_lhs_hint = false} : vector<1x4096xf32>, vector<4096x128xf32>, vector<1x128xf32> -> vector<1x128xf32>
    %div3A_142 = arith.constant 4.096000e+03 : f32
    %div3A_143 = vector.broadcast %div3A_142 : f32 to vector<1x128xf32>
    %div3A_144 = arith.divf %dot_general3A_141, %div3A_143 : vector<1x128xf32>
    %mul3A_145 = arith.mulf %add3A_131, %add3A_131 : vector<4096x128xf32>
    %dot_general3A_146 = arith.constant dense<0.000000e+00> : vector<1x128xf32>
    %dot_general3A_147 = tpu.matmul %broadcast_in_dim3A_139, %mul3A_145, %dot_general3A_146 {dimension_numbers = #tpu.dot_dimension_numbers<[1], [0], [0], [1], [0, 0, 1, 1], [], []>, transpose_lhs_hint = false} : vector<1x4096xf32>, vector<4096x128xf32>, vector<1x128xf32> -> vector<1x128xf32>
    %div3A_148 = arith.constant 4.096000e+03 : f32
    %div3A_149 = vector.broadcast %div3A_148 : f32 to vector<1x128xf32>
    %div3A_150 = arith.divf %dot_general3A_147, %div3A_149 : vector<1x128xf32>
    %mul3A_151 = arith.mulf %div3A_144, %div3A_144 : vector<1x128xf32>
    %sub3A_152 = arith.subf %div3A_150, %mul3A_151 : vector<1x128xf32>
    %add3A_153 = arith.constant 9.99999974E-6 : f32
    %add3A_154 = vector.broadcast %add3A_153 : f32 to vector<1x128xf32>
    %add3A_155 = arith.addf %sub3A_152, %add3A_154 : vector<1x128xf32>
    %rsqrt3A_156 = math.rsqrt %add3A_155 : vector<1x128xf32>
    %mul3A_157 = arith.mulf %get3A_134, %rsqrt3A_156 : vector<1x128xf32>
    %mul3A_158 = arith.mulf %div3A_144, %mul3A_157 : vector<1x128xf32>
    %sub3A_159 = arith.subf %get3A_137, %mul3A_158 : vector<1x128xf32>
    %mul3A_160 = vector.broadcast %mul3A_157 : vector<1x128xf32> to vector<4096x128xf32>
    %mul3A_161 = arith.mulf %add3A_131, %mul3A_160 : vector<4096x128xf32>
    %add3A_162 = vector.broadcast %sub3A_159 : vector<1x128xf32> to vector<4096x128xf32>
    %add3A_163 = arith.addf %mul3A_161, %add3A_162 : vector<4096x128xf32>
    %max3A_164 = arith.constant 0.000000e+00 : f32
    %max3A_165 = vector.broadcast %max3A_164 : f32 to vector<4096x128xf32>
    %max3A_166 = arith.maximumf %add3A_163, %max3A_165 : vector<4096x128xf32>
    %get3A_167 = arith.constant 0 : index
    %get3A_168 = arith.constant 0 : index
    %get3A_169 = vector.load %arg13[%get3A_167, %get3A_168] : memref<128x256xf32, #tpu.memory_space<vmem>>, vector<128x256xf32>
    %convert_element_type3A_170 = arith.truncf %max3A_166 : vector<4096x128xf32> to vector<4096x128xbf16>
    %convert_element_type3A_171 = arith.truncf %get3A_169 : vector<128x256xf32> to vector<128x256xbf16>
    %dot_general3A_172 = arith.constant dense<0.000000e+00> : vector<4096x256xf32>
    %dot_general3A_173 = tpu.matmul %convert_element_type3A_170, %convert_element_type3A_171, %dot_general3A_172 {dimension_numbers = #tpu.dot_dimension_numbers<[1], [0], [0], [1], [0, 0, 1, 1], [], []>, transpose_lhs_hint = false} : vector<4096x128xbf16>, vector<128x256xbf16>, vector<4096x256xf32> -> vector<4096x256xf32>
    %get3A_174 = arith.constant 0 : index
    %get3A_175 = arith.constant 0 : index
    %get3A_176 = vector.load %arg14[%get3A_174, %get3A_175] : memref<1x256xf32, #tpu.memory_space<vmem>>, vector<1x256xf32>
    %add3A_177 = vector.broadcast %get3A_176 : vector<1x256xf32> to vector<4096x256xf32>
    %add3A_178 = arith.addf %dot_general3A_173, %add3A_177 : vector<4096x256xf32>
    %swap3A = arith.constant 0 : index
    %swap3A_179 = arith.constant 0 : index
    %swap3A_180 = vector.load %arg21[%swap3A, %swap3A_179] : memref<4096x256xf32, #tpu.memory_space<vmem>>, vector<4096x256xf32>
    tpu.vector_store %arg21[%swap3A, %swap3A_179], %add3A_178 {strides = array<i32>} : memref<4096x256xf32, #tpu.memory_space<vmem>>, vector<4096x256xf32>,
    return
  }
}

</mosaic_0001>

<sc_bundles>
// kernel: kernel.4.cloned.1.call-start
scs
__scs_entry_jumppad:
0x0: {  	(pc) =	sbr.rel $0x88, $3  }
0x1: {  	(tag) =	ssettag $0x0;
	lr =	simm.s32 $0x1  }
0x2: {  	[smem:$0x3F8C] =	sst lr;
	_ =	strace $0xD0000000  }
0x3: {  	_ = 	snop  }
0x4: {  	_ = 	snop  }
0x5: {  	_ = 	snop  }
0x6: {  	_ = 	snop  }
0x7: {  	_ = 	snop  }
__scs_overlays_trampoline_lowered:
0x8: {  	[smem:$0x3F9B] =	sst s0  }
0x9: {  	[smem:$0x3F9C] =	sst s1  }
0xa: {  	[smem:$0x3F9D] =	sst s2  }
0xb: {  	[smem:$0x3F9E] =	sst s3  }
0xc: {  	[smem:$0x3F9F] =	sst s4  }
0xd: {  	[smem:$0x3FA0] =	sst s5  }
0xe: {  	[smem:$0x3FA1] =	sst s6  }
0xf: {  	[smem:$0x3FA2] =	sst s7  }
0x10: {  	[smem:$0x3FA3] =	sst s8  }
0x11: {  	[smem:$0x3FA4] =	sst s9;
	s0 =	simm.s32 @!p0 $0x0  }
0x12: {  	s1 =	sld [smem:$0x3F8A];
	s0 =	simm.s32 @p0 $0x1  }
0x13: {  	[smem:$0x3FA5] =	sst s0;
	s0 =	simm.s32 @!p1 $0x0  }
0x14: {  	s2 =	sld [smem:$0x3F89];
	s0 =	simm.s32 @p1 $0x1  }
0x15: {  	[smem:$0x3FA6] =	sst s0;
	s0 =	simm.s32 @!p2 $0x0  }
0x16: {  	s3 =	sld [smem:$0x3FDB];
	s0 =	simm.s32 @p2 $0x1  }
0x17: {  	s4 =	simm.s32 $0x1BF5;
	[smem:$0x3FA8] =	sst s0  }
0x18: {  	s0 =	sld [smem:$0x3F8B];
	_ =	swait.ge [sflag:s4], $0x0  }
0x19: {  	s7 =	sld [smem:$0x3F8C]  }
0x1a: {  	s8 =	sadd.s32 $0xFFFFE003, lr  }
0x1b: {  	s9 =	sadd.s32 $0xFFFFFEF7, lr;
	s5 =	simm.s32 $0xFFFFFFFF;
	p2 =	slt.u32 s8, $0xFFFFF086  }
0x1c: {  	p1 =	slt.u32 s9, $0xF7A;
	s5 =	simm.s32 @!p2 $0x0  }
0x1d: {  	s5 =	simm.s32 @p1 $0x1;
	p0 =	seq.s32 s7, s2  }
0x1e: {  	s7 =	smul.u32 @!p0 $0xF7A, s2;
	p2 =	seq.s32 @!p0 s5, $0x0  }
0x1f: {  	s9 =	smul.u32 $0xF7A, s1;
	s8 =	simm.s32 @!p0 $0x1BF5;
	p2 =	por !p2, p0  }
0x20: {  	[sflag:s8] =	ssyncset.s32 @!p0 $0xFFFFF086;
	s6 =	sadd.s32 @!p0 s3, s7;
	s7 =	simm.s32 @!p0 $0x108  }
0x21: {  	s3 =	sadd.s32 s3, s9;
	s6 =	sadd.s32 @!p0 $0x88, s6;
	s7 =	simm.s32 @p2 $0x1082  }
0x22: {  	[simem:s7], [sflag:s8] =	dma.local @!p0 [hbm:s6], $0xF7A  }
0x23: {  	s9 =	sor.u32 $0xD0000000, s2;
	s6 =	simm.s32 $0x108;
	_ =	swait.ge @!p0 [sflag:s8], $0x0  }
0x24: {  	s3 =	sadd.s32 $0x88, s3;
	s6 =	simm.s32 @!p1 $0x1082;
	[sflag:s4] =	ssyncset.s32 $0xFFFFF086  }
0x25: {  	[simem:s6], [sflag:s4] =	dma.local [hbm:s3], $0xF7A  }
0x26: {  	[smem:$0x3F8C] =	sst s1;
	(tag) =	ssettag s2;
	_ =	strace s9  }
0x27: {  	s1 =	sld [smem:$0x3F9C]  }
0x28: {  	s2 =	sld [smem:$0x3F9D]  }
0x29: {  	s4 =	sld [smem:$0x3F9F]  }
0x2a: {  	p0 =	seq.s32 s5, $0x0;
	s5 =	sld [smem:$0x3FA0]  }
0x2b: {  	s6 =	sld [smem:$0x3FA1]  }
0x2c: {  	s7 =	sld [smem:$0x3FA2]  }
0x2d: {  	s3 =	simm.s32 $0x108;
	s8 =	sld [smem:$0x3FA3]  }
0x2e: {  	s3 =	simm.s32 @!p0 $0x1082;
	s9 =	sld [smem:$0x3FA4]  }
0x2f: {  	lr =	sadd.s32 s0, s3;
	s0 =	sld [smem:$0x3F9B]  }
0x30: {  	s3 =	sld [smem:$0x3F9E]  }
0x31: {  	[smem:$0x3FA7] =	sst s10  }
0x32: {  	s10 =	sld [smem:$0x3FA5];
	_ =	sdelay $0x3  }
0x33: {  	p0 =	seq.s32 s10, $0x1;
	s10 =	sld [smem:$0x3FA7];
	_ =	sdelay $0x3  }
0x34: {  	[smem:$0x3FA7] =	sst s10  }
0x35: {  	s10 =	sld [smem:$0x3FA6];
	_ =	sdelay $0x3  }
0x36: {  	p1 =	seq.s32 s10, $0x1;
	s10 =	sld [smem:$0x3FA7];
	_ =	sdelay $0x3  }
0x37: {  	[smem:$0x3FA7] =	sst s10  }
0x38: {  	s10 =	sld [smem:$0x3FA8]  }
0x39: {  	_ = 	snop;
	(pc) =	sbr.ind lr, $3  }
0x3a: {  	_ = 	snop  }
0x3b: {  	_ = 	snop  }
0x3c: {  	p2 =	seq.s32 s10, $0x1;
	s10 =	sld [smem:$0x3FA7]  }
0x3d: {  	_ =	shalt  }
0x3e: {  	_ =	shalt  }
0x3f: {  	_ =	shalt  }
0x40: {  	_ =	shalt  }
0x41: {  	_ =	shalt  }
0x42: {  	_ =	shalt  }
0x43: {  	_ =	shalt  }
0x44: {  	_ =	shalt  }
0x45: {  	_ =	shalt  }
0x46: {  	_ =	shalt  }
0x47: {  	_ =	shalt  }
0x48: {  	_ =	shalt  }
0x49: {  	_ =	shalt  }
0x4a: {  	_ =	shalt  }
0x4b: {  	_ =	shalt  }
0x4c: {  	_ =	shalt  }
0x4d: {  	_ =	shalt  }
0x4e: {  	_ =	shalt  }
0x4f: {  	_ =	shalt  }
0x50: {  	_ =	shalt  }
0x51: {  	_ =	shalt  }
0x52: {  	_ =	shalt  }
0x53: {  	_ =	shalt  }
0x54: {  	_ =	shalt  }
0x55: {  	_ =	shalt  }
0x56: {  	_ =	shalt  }
0x57: {  	_ =	shalt  }
0x58: {  	_ =	shalt  }
0x59: {  	_ =	shalt  }
0x5a: {  	_ =	shalt  }
0x5b: {  	_ =	shalt  }
0x5c: {  	_ =	shalt  }
0x5d: {  	_ =	shalt  }
0x5e: {  	_ =	shalt  }
0x5f: {  	_ =	shalt  }
0x60: {  	_ =	shalt  }
0x61: {  	_ =	shalt  }
0x62: {  	_ =	shalt  }
0x63: {  	_ =	shalt  }
0x64: {  	_ =	shalt  }
0x65: {  	_ =	shalt  }
0x66: {  	_ =	shalt  }
0x67: {  	_ =	shalt  }
0x68: {  	_ =	shalt  }
0x69: {  	_ =	shalt  }
0x6a: {  	_ =	shalt  }
0x6b: {  	_ =	shalt  }
0x6c: {  	_ =	shalt  }
0x6d: {  	_ =	shalt  }
0x6e: {  	_ =	shalt  }
0x6f: {  	_ =	shalt  }
0x70: {  	_ =	shalt  }
0x71: {  	_ =	shalt  }
0x72: {  	_ =	shalt  }
0x73: {  	_ =	shalt  }
0x74: {  	_ =	shalt  }
0x75: {  	_ =	shalt  }
0x76: {  	_ =	shalt  }
0x77: {  	_ =	shalt  }
0x78: {  	_ =	shalt  }
0x79: {  	_ =	shalt  }
0x7a: {  	_ =	shalt  }
0x7b: {  	_ =	shalt  }
0x7c: {  	_ =	shalt  }
0x7d: {  	_ =	shalt  }
0x7e: {  	_ =	shalt  }
0x7f: {  	_ =	shalt  }
0x80: {  	_ =	shalt  }
0x81: {  	_ =	shalt  }
0x82: {  	_ =	shalt  }
0x83: {  	_ =	shalt  }
0x84: {  	_ =	shalt  }
0x85: {  	_ =	shalt  }
0x86: {  	_ =	shalt  }
0x87: {  	_ =	shalt  }
.Lfunc_end0:
.L_simem_size_0:
called_computation_lowered:
.L_overlay_start_0:
0x88: {  	s2 =	sld [smem:$0x3FD9]  }
0x89: {  	s3 =	sld [smem:$0x3FFE];
	_ =	sdelay $0x1  }
0x8a: {  	s1 =	srdreg.scid  }
0x8b: {  	s0 =	sand.u32 $0x1, s1  }
0x8c: {  	s17 =	sshll.u32 s0, $0xA;
	s2 =	sadd.s32 s3, s2  }
0x8d: {  	s2 =	sadd.s32 s2, s17  }
0x8e: {  	[smem:$0x3FB3] =	sst s2  }
0x8f: {  	_ = 	snop  }
0x90: {  	s2 =	sld [smem:$0x3FC8]  }
0x91: {  	s18 =	sld [smem:$0x3FC7]  }
0x92: {  	s4 =	sld [smem:$0x3FC6]  }
0x93: {  	s5 =	sld [smem:$0x3FC5]  }
0x94: {  	s6 =	sld [smem:$0x3FC4]  }
0x95: {  	s7 =	sld [smem:$0x3FC3]  }
0x96: {  	s8 =	sld [smem:$0x3FD0];
	(tm) =	ssettm $0x1  }
0x97: {  	s9 =	sld [smem:$0x3FFB];
	_ =	sdelay $0x3  }
0x98: {  	_ =	strace s9  }
0x99: {  	s9 =	sld [smem:$0x3FFC];
	_ =	sdelay $0x3  }
0x9a: {  	_ =	strace s9  }
0x9b: {  	s9 =	sld [smem:$0x3FFD];
	_ =	sdelay $0x3  }
0x9c: {  	_ =	strace s9  }
0x9d: {  	_ =	strace $0x8FFFFFFF  }
0x9e: {  	s19 =	sld [smem:$0x3FDB];
	_ =	sdelay $0x1  }
0x9f: {  	s10 =	simm.s32 $_scs_section_size  }
0xa0: {  	s11 =	simm.s32 $_size__tile_overlayer_lowered;
	s12 =	simm.s32 $_tile_overlayer_lowered  }
0xa1: {  	s22 =	simm.s32 $0x1BFF;
	s21 =	sshll.u32 s12, $0x1;
	s9 =	sadd.s32 s10, s19  }
0xa2: {  	s13 =	simm.s32 $0x0;
	s20 =	sshll.u32 s11, $0x1;
	s11 =	sadd.s32 s21, s9  }
0xa3: {  	[timem:s13], [sflag:s22] =	dma.local [hbm:s11], s20  }
0xa4: {  	_ =	swait.ge [sflag:s22], s20  }
0xa5: {  	s10 =	ssub.s32 $0x0, s20;
	[sflag:s22] =	ssyncset.done $0x0  }
0xa6: {  	[sflag:s22] =	ssyncadd.s32 s10;
	_ =	sdelay $0x1  }
0xa7: {  	s23 =	simm.s32 $0x1B8B  }
0xa8: {  	_ =	swait.ge [sflag:s23], $0x1  }
0xa9: {  	[sflag:s23] =	ssyncset.done $0x0  }
0xaa: {  	s25 =	simm.s32 $0x1B8E;
	s24 =	sld [smem:$0x3FFE];
	[sflag:s23] =	ssyncadd.s32 $0xFFFFFFFF  }
0xab: {  	s26 =	simm.s32 $execute0_lowered;
	[smem:$0x3FD2] =	sst s25  }
0xac: {  	s11 =	sshll.u32 s26, $0x1;
	_ =	strace $0x80000046;
	[dreg:$0x1] =	wrdreg $0xFFFFFFFF  }
0xad: {  	s28 =	simm.s32 $_size_execute0_lowered;
	s9 =	sadd.s32 s9, s11;
	[dreg:$0x0] =	wrdreg $0x0  }
0xae: {  	s11 =	sshll.u32 s28, $0x1;
	[dreg:$0x2] =	wrdreg s9  }
0xaf: {  	[dreg:$0x3] =	wrdreg s11  }
0xb0: {  	[dreg:$0x4] =	wrdreg $0xC0  }
0xb1: {  	_ =	task [dreg:s13], $0x5FFFF  }
0xb2: {  	[dreg:$0x1] =	wrdreg $0xFFFFFFFF  }
0xb3: {  	[dreg:$0x0] =	wrdreg $0x60  }
0xb4: {  	[dreg:$0x2] =	wrdreg s2  }
0xb5: {  	[dreg:$0x3] =	wrdreg s18  }
0xb6: {  	[dreg:$0x4] =	wrdreg s4  }
0xb7: {  	[dreg:$0x5] =	wrdreg s5  }
0xb8: {  	[dreg:$0x6] =	wrdreg s6  }
0xb9: {  	[dreg:$0x7] =	wrdreg s7  }
0xba: {  	[dreg:$0x8] =	wrdreg s8  }
0xbb: {  	[dreg:$0x9] =	wrdreg s24  }
0xbc: {  	[dreg:$0xa] =	wrdreg $0x9  }
0xbd: {  	_ =	task.clear_ibuf [dreg:s13], $0xBFFFF;
	_ =	strace $0x90000046  }
0xbe: {  	s29 =	simm.s32 $0x9;
	_ =	strace $0x80000048  }
0xbf: {  	_ =	swait.ge [sflag:s29], $0x1  }
0xc0: {  	[sflag:s29] =	ssyncadd.s32 $0xFFFFFFFF  }
0xc1: {  	_ =	strace $0x90000048  }
0xc2: {  	_ =	sfence  }
0xc3: {  	s30 =	sld [smem:$0x0];
	_ =	sdelay $0x2  }
0xc4: {  	s31 =	sshll.u32 s1, $0xD;
	s1 =	sshrl.u32 s1, $0x2  }
0xc5: {  	s3 =	sand.u32 $0x4000, s31;
	s1 =	sadd.s32 s1, s30  }
0xc6: {  	s0 =	sor.u32 s3, s0;
	s1 =	sshll.u32 s1, $0x11  }
0xc7: {  	s0 =	sor.u32 s1, s0  }
0xc8: {  	s0 =	sadd.s32 $0x8F2B, s0  }
0xc9: {  	[sflag:s0] =	ssyncadd.remote.s32 $0x1  }
0xca: {  	_ =	sfence.sel $0xFFFF  }
0xcb: {  	[dreg:$0x0] =	wrdreg $0xFFFFFFFF;
	(pc) =	sbr.abs _section_cstart, $3  }
0xcc: {  	[dreg:$0x1] =	wrdreg $0xFFFFFFFF  }
0xcd: {  	_ =	task.clear_ibuf [dreg:s13], $0x2FFFF;
	_ =	strace $0x9FFFFFFF  }
0xce: {  	(tm) =	ssettm $0x7FFFFFFF  }
0xcf: {  	_ =	shalt  }
tec
execute0_lowered:
.L_overlay_start_1:
0x0: {  	(tag) =	ssettag $0x1  }
0x1: {  	s0 =	rddreg [dreg:$0x0]  }
0x2: {  	s1 =	rddreg [dreg:$0x1]  }
0x3: {  	s2 =	rddreg [dreg:$0x2]  }
0x4: {  	s6 =	rddreg [dreg:$0x3]  }
0x5: {  	s9 =	rddreg [dreg:$0x4]  }
0x6: {  	s7 =	rddreg [dreg:$0x5]  }
0x7: {  	s8 =	rddreg [dreg:$0x6]  }
0x8: {  	s10 =	rddreg [dreg:$0x7]  }
0x9: {  	s5 =	srdreg.scid;
	s4 =	stileid.u32  }
0xa: {  	s3 =	rddreg [dreg:$0x8];
	s17 =	simm.s32 $0x4000;
	s18 =	simm.s32 $0x4  }
0xb: {  	s19 =	simm.s32 $0x1;
	s20 =	simm.s32 $0x3000;
	s21 =	simm.s32 $0x6  }
0xc: {  	s22 =	simm.s32 $0x3;
	s11 =	sand.u32 $0x1, s5;
	s23 =	sshll.u32 s4, $0x8  }
0xd: {  	s14 =	sshll.u32 s4, $0xD;
	s5 =	simm.s32 $0x0;
	s25 =	sshrl.u32 s4, $0x2  }
0xe: {  	p0 =	sgt.u32 s4, $0x7;
	s12 =	sshll.u32 s11, $0x7;
	s13 =	sand.u32 $0x300, s23  }
0xf: {  	s24 =	sand.u32 $0x18000, s14;
	[smem:$0x7FF] =	sst s5;
	s15 =	smul.u32 $0xC3800, s25  }
0x10: {  	s26 =	ssub.s32 $0x2, s11;
	s28 =	sshll.u32 s25, $0xD;
	s14 =	simm.s32 $0x2000  }
0x11: {  	s23 =	simm.s32 $0x1C700;
	s25 =	simm.s32 $0x0;
	s12 =	sor.u32 s12, s13  }
0x12: {  	_ =	strace $0x80000047;
	s29 =	sshrl.u32 s26, $0x1;
	s13 =	sor.u32 s24, s12  }
0x13: {  	s15 =	sor.u32 s15, s12;
	s11 =	sor.u32 s28, s12;
	s30 =	ssub.s32 s26, s29  }
0x14: {  	s24 =	simm.s32 $0x2;
	s13 =	sshrl.u32 s13, $0x3;
	s31 =	sshrl.u32 s15, $0x3  }
0x15: {  	s11 =	sshrl.u32 s11, $0x3;
	s12 =	smax.u32 s30, $0x1;
	s15 =	simm.s32 $0x80  }
0x16: {  	s16 =	sadd.s32 s13, s10;
	s6 =	sadd.s32 s6, s31;
	s7 =	sadd.s32 s7, s11  }
0x17: {  	s8 =	sadd.s32 s8, s13;
	s9 =	sadd.s32 s9, s31;
	s13 =	simm.s32 $0x1000  }
0x18: {  	s10 =	sadd.s32 $0x6E00, s16;
	s11 =	sadd.s32 $0x2E00, s16;
	s16 =	simm.s32 $0x400  }
.LBB2_1:
0x19: {  	[tilespmem:s5], [sflag:$0x1] =	stream.linear.gather [hbm4b:s0+s5], $0x1000, $0x38;
	[tilespmem:$0x1CB00] =	vst v63  }
0x1a: {  	_ = 	snop  }
0x1b: {  	[tilespmem:s13], [sflag:$0x2] =	stream.linear.gather [hbm4b:s1+s5], $0x1000, $0x38;
	[tilespmem:$0x1CB00] =	vst v63  }
0x1c: {  	_ = 	snop  }
0x1d: {  	[tilespmem:s14], [sflag:$0x3] =	stream.linear.gather [hbm4b:s2+s5], $0x1000, $0x38;
	[tilespmem:$0x1CB00] =	vst v63  }
0x1e: {  	_ = 	snop  }
0x1f: {  	[tilespmem:s17], [sflag:$0x4] =	stream.strided.gather [hbm4b:s6+s15], $0x18700, s16, s15, $0x38;
	[tilespmem:$0x1CB00] =	vst v63  }
0x20: {  	s26 =	simm.s32 @!p0 $0x80;
	s28 =	simm.s32 @!p0 $0x400;
	s29 =	simm.s32 @!p0 $0x1C700  }
0x21: {  	[tilespmem:s29], [sflag:$0x5] =	stream.strided.gather @!p0 [hbm4b:s7+s26], $0x400, s28, s26, $0x38;
	[tilespmem:$0x1CB00] =	vst v63  }
0x22: {  	s26 =	simm.s32 @!p0 $0x5  }
0x23: {  	_ =	swait.ge @!p0 [sflag:s26], $0x400  }
0x24: {  	[sflag:s26] =	ssyncset.done @!p0 $0x0  }
0x25: {  	[sflag:s26] =	ssyncadd.s32 @!p0 $0xFFFFFC00  }
0x26: {  	_ =	swait.ge [sflag:s18], $0x18700  }
0x27: {  	[sflag:s18] =	ssyncset.done $0x0  }
0x28: {  	[sflag:s18] =	ssyncadd.s32 $0xFFFE7900  }
0x29: {  	_ =	swait.ge [sflag:s19], $0x1000  }
0x2a: {  	s28 =	simm.s32 $0x40;
	[sflag:s19] =	ssyncset.done $0x0  }
0x2b: {  	s29 =	simm.s32 $0x3040;
	s26 =	simm.s32 $0xFFFFFFF8;
	[sflag:s19] =	ssyncadd.s32 $0xFFFFF000  }
.LBB2_2:
0x2c: {  	v0 =	vld [tilespmem:s28+$0xFFFFFFC0];
	_ =	sdelay $0x7  }
0x2d: {  	v0 =	vld.idx.msk [tilespmem:v0+s17+$0x0], $0xffff;
	_ =	sdelay $0x4  }
0x2e: {  	[tilespmem:s29+$0xFFFFFFC0] =	vst v0  }
0x2f: {  	v0 =	vld [tilespmem:s28+$0xFFFFFFD0];
	_ =	sdelay $0x7  }
0x30: {  	v0 =	vld.idx.msk [tilespmem:v0+s17+$0x0], $0xffff;
	_ =	sdelay $0x4  }
0x31: {  	[tilespmem:s29+$0xFFFFFFD0] =	vst v0  }
0x32: {  	v0 =	vld [tilespmem:s28+$0xFFFFFFE0];
	_ =	sdelay $0x7  }
0x33: {  	v0 =	vld.idx.msk [tilespmem:v0+s17+$0x0], $0xffff;
	_ =	sdelay $0x4  }
0x34: {  	[tilespmem:s29+$0xFFFFFFE0] =	vst v0  }
0x35: {  	v0 =	vld [tilespmem:s28+$0xFFFFFFF0];
	_ =	sdelay $0x7  }
0x36: {  	v0 =	vld.idx.msk [tilespmem:v0+s17+$0x0], $0xffff;
	_ =	sdelay $0x4  }
0x37: {  	[tilespmem:s29+$0xFFFFFFF0] =	vst v0  }
0x38: {  	v0 =	vld [tilespmem:s28+$0x0];
	_ =	sdelay $0x7  }
0x39: {  	v0 =	vld.idx.msk [tilespmem:v0+s17+$0x0], $0xffff;
	_ =	sdelay $0x4  }
0x3a: {  	[tilespmem:s29+$0x0] =	vst v0  }
0x3b: {  	v0 =	vld [tilespmem:s28+$0x10];
	_ =	sdelay $0x7  }
0x3c: {  	v0 =	vld.idx.msk [tilespmem:v0+s17+$0x0], $0xffff;
	_ =	sdelay $0x4  }
0x3d: {  	[tilespmem:s29+$0x10] =	vst v0  }
0x3e: {  	v0 =	vld [tilespmem:s28+$0x20];
	_ =	sdelay $0x7  }
0x3f: {  	v0 =	vld.idx.msk [tilespmem:v0+s17+$0x0], $0xffff;
	_ =	sdelay $0x4  }
0x40: {  	[tilespmem:s29+$0x20] =	vst v0  }
0x41: {  	v0 =	vld [tilespmem:s28+$0x30];
	_ =	sdelay $0x6  }
0x42: {  	s26 =	sadd.s32 $0x8, s26  }
0x43: {  	p1 =	slt.u32 s26, $0xF8;
	v0 =	vld.idx.msk [tilespmem:v0+s17+$0x0], $0xffff  }
.Ltmp0:
0x44: {  	_ = 	snop;
	(pc) =	sbr.rel @p1 .LBB2_2-.Ltmp0, $2  }
0x45: {  	_ =	sdelay $0x2  }
0x46: {  	s28 =	sadd.s32 $0x80, s28;
	[tilespmem:s29+$0x30] =	vst v0;
	s29 =	sadd.s32 $0x80, s29  }
0x47: {  	[hbm4b:s8+s15] =	stream.strided.scatter [tilespmem:s20], [sflag:$0x6], $0x1000, s16, s15, $0x38;
	[tilespmem:$0x1CB00] =	vst v63  }
0x48: {  	_ =	swait.ge [sflag:s21], $0x1000  }
0x49: {  	[sflag:s21] =	ssyncset.done $0x0  }
.Ltmp1:
0x4a: {  	[sflag:s21] =	ssyncadd.s32 $0xFFFFF000;
	(pc) =	sbr.rel @p0 .LBB2_7-.Ltmp1, $4  }
0x4b: {  	[tilespmem:s17], [sflag:$0x4] =	stream.strided.gather [hbm4b:s9+s15], $0x18700, s16, s15, $0x38;
	[tilespmem:$0x1CB00] =	vst v63  }
0x4c: {  	_ =	swait.ge [sflag:s22], $0x1000  }
0x4d: {  	[sflag:s22] =	ssyncset.done $0x0  }
0x4e: {  	[sflag:s22] =	ssyncadd.s32 $0xFFFFF000  }
0x4f: {  	s26 =	simm.s32 $0xFFFFFFF8;
	s28 =	simm.s32 $0x2040;
	s29 =	simm.s32 $0x3040  }
.LBB2_5:
0x50: {  	v0 =	vld [tilespmem:s28+$0xFFFFFFC0];
	_ =	sdelay $0x7  }
0x51: {  	v0 =	vld.idx.msk [tilespmem:v0+s23+$0x0], $0xffff;
	_ =	sdelay $0x4  }
0x52: {  	[tilespmem:s29+$0xFFFFFFC0] =	vst v0  }
0x53: {  	v0 =	vld [tilespmem:s28+$0xFFFFFFD0];
	_ =	sdelay $0x7  }
0x54: {  	v0 =	vld.idx.msk [tilespmem:v0+s23+$0x0], $0xffff;
	_ =	sdelay $0x4  }
0x55: {  	[tilespmem:s29+$0xFFFFFFD0] =	vst v0  }
0x56: {  	v0 =	vld [tilespmem:s28+$0xFFFFFFE0];
	_ =	sdelay $0x7  }
0x57: {  	v0 =	vld.idx.msk [tilespmem:v0+s23+$0x0], $0xffff;
	_ =	sdelay $0x4  }
0x58: {  	[tilespmem:s29+$0xFFFFFFE0] =	vst v0  }
0x59: {  	v0 =	vld [tilespmem:s28+$0xFFFFFFF0];
	_ =	sdelay $0x7  }
0x5a: {  	v0 =	vld.idx.msk [tilespmem:v0+s23+$0x0], $0xffff;
	_ =	sdelay $0x4  }
0x5b: {  	[tilespmem:s29+$0xFFFFFFF0] =	vst v0  }
0x5c: {  	v0 =	vld [tilespmem:s28+$0x0];
	_ =	sdelay $0x7  }
0x5d: {  	v0 =	vld.idx.msk [tilespmem:v0+s23+$0x0], $0xffff;
	_ =	sdelay $0x4  }
0x5e: {  	[tilespmem:s29+$0x0] =	vst v0  }
0x5f: {  	v0 =	vld [tilespmem:s28+$0x10];
	_ =	sdelay $0x7  }
0x60: {  	v0 =	vld.idx.msk [tilespmem:v0+s23+$0x0], $0xffff;
	_ =	sdelay $0x4  }
0x61: {  	[tilespmem:s29+$0x10] =	vst v0  }
0x62: {  	v0 =	vld [tilespmem:s28+$0x20];
	_ =	sdelay $0x7  }
0x63: {  	v0 =	vld.idx.msk [tilespmem:v0+s23+$0x0], $0xffff;
	_ =	sdelay $0x4  }
0x64: {  	[tilespmem:s29+$0x20] =	vst v0  }
0x65: {  	v0 =	vld [tilespmem:s28+$0x30];
	_ =	sdelay $0x6  }
0x66: {  	s26 =	sadd.s32 $0x8, s26  }
0x67: {  	p1 =	slt.u32 s26, $0xF8;
	v0 =	vld.idx.msk [tilespmem:v0+s23+$0x0], $0xffff  }
.Ltmp2:
0x68: {  	_ = 	snop;
	(pc) =	sbr.rel @p1 .LBB2_5-.Ltmp2, $2  }
0x69: {  	_ =	sdelay $0x2  }
0x6a: {  	s28 =	sadd.s32 $0x80, s28;
	[tilespmem:s29+$0x30] =	vst v0;
	s29 =	sadd.s32 $0x80, s29  }
0x6b: {  	[hbm4b:s10+s15] =	stream.strided.scatter [tilespmem:s20], [sflag:$0x6], $0x1000, s16, s15, $0x38;
	[tilespmem:$0x1CB00] =	vst v63  }
0x6c: {  	_ =	swait.ge [sflag:s21], $0x1000  }
0x6d: {  	[sflag:s21] =	ssyncset.done $0x0  }
0x6e: {  	[sflag:s21] =	ssyncadd.s32 $0xFFFFF000  }
.LBB2_7:
0x6f: {  	_ =	swait.ge [sflag:s18], $0x18700  }
0x70: {  	[sflag:s18] =	ssyncset.done $0x0  }
0x71: {  	[sflag:s18] =	ssyncadd.s32 $0xFFFE7900  }
0x72: {  	_ =	swait.ge [sflag:s24], $0x1000  }
0x73: {  	s26 =	simm.s32 $0xFFFFFFF8;
	[sflag:s24] =	ssyncset.done $0x0  }
0x74: {  	s28 =	simm.s32 $0x1040;
	s29 =	simm.s32 $0x3040;
	[sflag:s24] =	ssyncadd.s32 $0xFFFFF000  }
.LBB2_8:
0x75: {  	v0 =	vld [tilespmem:s28+$0xFFFFFFC0];
	_ =	sdelay $0x7  }
0x76: {  	v0 =	vld.idx.msk [tilespmem:v0+s17+$0x0], $0xffff;
	_ =	sdelay $0x4  }
0x77: {  	[tilespmem:s29+$0xFFFFFFC0] =	vst v0  }
0x78: {  	v0 =	vld [tilespmem:s28+$0xFFFFFFD0];
	_ =	sdelay $0x7  }
0x79: {  	v0 =	vld.idx.msk [tilespmem:v0+s17+$0x0], $0xffff;
	_ =	sdelay $0x4  }
0x7a: {  	[tilespmem:s29+$0xFFFFFFD0] =	vst v0  }
0x7b: {  	v0 =	vld [tilespmem:s28+$0xFFFFFFE0];
	_ =	sdelay $0x7  }
0x7c: {  	v0 =	vld.idx.msk [tilespmem:v0+s17+$0x0], $0xffff;
	_ =	sdelay $0x4  }
0x7d: {  	[tilespmem:s29+$0xFFFFFFE0] =	vst v0  }
0x7e: {  	v0 =	vld [tilespmem:s28+$0xFFFFFFF0];
	_ =	sdelay $0x7  }
0x7f: {  	v0 =	vld.idx.msk [tilespmem:v0+s17+$0x0], $0xffff;
	_ =	sdelay $0x4  }
0x80: {  	[tilespmem:s29+$0xFFFFFFF0] =	vst v0  }
0x81: {  	v0 =	vld [tilespmem:s28+$0x0];
	_ =	sdelay $0x7  }
0x82: {  	v0 =	vld.idx.msk [tilespmem:v0+s17+$0x0], $0xffff;
	_ =	sdelay $0x4  }
0x83: {  	[tilespmem:s29+$0x0] =	vst v0  }
0x84: {  	v0 =	vld [tilespmem:s28+$0x10];
	_ =	sdelay $0x7  }
0x85: {  	v0 =	vld.idx.msk [tilespmem:v0+s17+$0x0], $0xffff;
	_ =	sdelay $0x4  }
0x86: {  	[tilespmem:s29+$0x10] =	vst v0  }
0x87: {  	v0 =	vld [tilespmem:s28+$0x20];
	_ =	sdelay $0x7  }
0x88: {  	v0 =	vld.idx.msk [tilespmem:v0+s17+$0x0], $0xffff;
	_ =	sdelay $0x4  }
0x89: {  	[tilespmem:s29+$0x20] =	vst v0  }
0x8a: {  	v0 =	vld [tilespmem:s28+$0x30];
	_ =	sdelay $0x6  }
0x8b: {  	s26 =	sadd.s32 $0x8, s26  }
0x8c: {  	p1 =	slt.u32 s26, $0xF8;
	v0 =	vld.idx.msk [tilespmem:v0+s17+$0x0], $0xffff  }
.Ltmp3:
0x8d: {  	_ = 	snop;
	(pc) =	sbr.rel @p1 .LBB2_8-.Ltmp3, $2  }
0x8e: {  	_ =	sdelay $0x2  }
0x8f: {  	s28 =	sadd.s32 $0x80, s28;
	[tilespmem:s29+$0x30] =	vst v0;
	s29 =	sadd.s32 $0x80, s29  }
0x90: {  	s25 =	sadd.s32 $0x1, s25  }
0x91: {  	p1 =	sne.s32 s25, s12  }
.Ltmp4:
0x92: {  	_ = 	snop;
	(pc) =	sbr.rel @p1 .LBB2_1-.Ltmp4, $4  }
0x93: {  	[hbm4b:s11+s15] =	stream.strided.scatter [tilespmem:s20], [sflag:$0x6], $0x1000, s16, s15, $0x38;
	[tilespmem:$0x1CB00] =	vst v63  }
0x94: {  	_ =	swait.ge [sflag:s21], $0x1000  }
0x95: {  	[sflag:s21] =	ssyncset.done $0x0  }
0x96: {  	[sflag:s21] =	ssyncadd.s32 $0xFFFFF000  }
0x97: {  	_ =	sfence.sel $0x180000  }
0x98: {  	[bflag:$0x0] =	sbarrier.arrive $0xFFFF  }
0x99: {  	p0 =	sne.s32 s4, $0x0;
	_ =	strace $0x90000047  }
0x9a: {  	s0 =	sadd.s32 @!p0 $0x100000, s3;
	[bflag:$0x2] =	sbarrier.arrive $0xFFFF  }
0x9b: {  	[sflag:s0] =	ssyncadd.tile.s32 @!p0 $0x1;
	_ =	shalt  }
.Lfunc_end2:
_tile_overlayer_lowered:
.L_overlay_start_2:
0x9c: {  	(tag) =	ssettag $0x2  }
0x9d: {  	s0 =	rddreg [dreg:$0x0];
	s2 =	stileid.u32  }
0x9e: {  	s1 =	rddreg [dreg:$0x1];
	p0 =	sne.s32 s2, $0x0  }
0x9f: {  	s3 =	rddreg [dreg:$0x2];
	[bflag:$0x3] =	sbarrier.arrive $0xFFFF;
	s2 =	simm.s32 @!p0 $0x1C06  }
0xa0: {  	[timem:s3], [sflag:s2] =	dma.local @!p0 [hbm:s0], s1  }
0xa1: {  	s0 =	simm.s32 @!p0 $0x6  }
0xa2: {  	_ =	swait.ge @!p0 [sflag:s0], s1  }
0xa3: {  	s1 =	ssub.s32 @!p0 $0x0, s1;
	[sflag:s0] =	ssyncset.done @!p0 $0x0  }
0xa4: {  	[sflag:s0] =	ssyncadd.s32 @!p0 s1  }
0xa5: {  	[bflag:$0x3] =	sbarrier.arrive $0xFFFF  }
0xa6: {  	_ =	shalt  }

</sc_bundles>
